<compile_context>
chip_gen: v7x
topology: tpu7x:2x2x1
jax: 0.10.2.dev20260603
libtpu: 0.0.44.dev20260713+nightly
codegen_flags: <defaults>
</compile_context>

<pallas_src>
import functools

import jax
import jax.numpy as jnp
from jax import lax
from jax.experimental import pallas as pl
from jax.experimental.pallas import tpu as pltpu
from jax.experimental.pallas import tpu_sc as plsc

E = 8
TOP_K = 2
D = 768
H_SHARED = 1536
H_ROUTED = 768
N_TOK = 2048
N_PAIR = N_TOK * TOP_K
BLK = 256
BLK_SH = BLK.bit_length() - 1
P_ROWS = N_PAIR + E * BLK
NB = P_ROWS // BLK
BT = 256
NW = 32

_NT = (((1,), (1,)), ((), ()))



def _k0_body(x_ref, temb_ref, rw_ref, bias_ref,
             gates_ref, slots0_ref, slots1_ref, bem_ref):
    xb = x_ref[...]
    wx = rw_ref[:, :D]
    wt = rw_ref[:, D:]
    logits = (lax.dot_general(xb, wx, _NT,
                              preferred_element_type=jnp.float32)
              + lax.dot_general(temb_ref[...], wt, _NT,
                                preferred_element_type=jnp.float32))
    s = jax.nn.sigmoid(logits)
    sel = s + bias_ref[...]
    idx = lax.broadcasted_iota(jnp.int32, sel.shape, 1)
    neg = jnp.float32(-jnp.inf)
    m1 = jnp.max(sel, axis=1, keepdims=True)
    i1 = jnp.min(jnp.where(sel == m1, idx, E), axis=1, keepdims=True)
    sel2 = jnp.where(idx == i1, neg, sel)
    m2 = jnp.max(sel2, axis=1, keepdims=True)
    i2 = jnp.min(jnp.where(sel2 == m2, idx, E), axis=1, keepdims=True)
    s1 = jnp.sum(jnp.where(idx == i1, s, 0.0), axis=1, keepdims=True)
    s2 = jnp.sum(jnp.where(idx == i2, s, 0.0), axis=1, keepdims=True)
    denom = s1 + s2
    ok = denom > 1e-9
    g1 = jnp.where(ok, s1 / (denom + 1e-9), 1.0 / TOP_K)
    g2 = jnp.where(ok, s2 / (denom + 1e-9), 1.0 / TOP_K)
    gates_ref[:, 0:1] = g1
    gates_ref[:, 1:2] = g2

    oh1 = (idx == i1).astype(jnp.float32)
    oh2 = (idx == i2).astype(jnp.float32)
    S = oh1 + oh2
    cnt = jnp.sum(S, axis=0, keepdims=True).astype(jnp.int32)
    aligned = ((cnt + (BLK - 1)) >> BLK_SH) << BLK_SH
    er = lax.broadcasted_iota(jnp.int32, (E, E), 0)
    ec = lax.broadcasted_iota(jnp.int32, (E, E), 1)
    tri8 = (er < ec).astype(jnp.float32)
    base = jnp.dot(aligned.astype(jnp.float32), tri8,
                   preferred_element_type=jnp.float32)
    bs = lax.broadcasted_iota(jnp.int32, (BLK, E), 0) * BLK
    hits = (bs.astype(jnp.float32) >= base).astype(jnp.float32)
    bem_ref[...] = (jnp.sum(hits, axis=1, keepdims=True)
                    - 1.0).astype(jnp.int32)

    tr = lax.broadcasted_iota(jnp.int32, (BT, BT), 0)
    tc = lax.broadcasted_iota(jnp.int32, (BT, BT), 1)
    tril = (tc < tr).astype(jnp.float32)
    carry = jnp.zeros((1, E), jnp.float32)
    for c in range(N_TOK // BT):
        lo, hi = c * BT, (c + 1) * BT
        Sc = S[lo:hi, :]
        pe = jnp.dot(tril, Sc, preferred_element_type=jnp.float32)
        off = pe + base + carry
        r1 = jnp.sum(jnp.where(oh1[lo:hi, :] > 0, off, 0.0),
                     axis=1, keepdims=True)
        r2 = jnp.sum(jnp.where(oh2[lo:hi, :] > 0, off, 0.0),
                     axis=1, keepdims=True)
        slots0_ref[lo:hi, :] = r1.astype(jnp.int32)
        slots1_ref[lo:hi, :] = r2.astype(jnp.int32)
        carry = carry + jnp.sum(Sc, axis=0, keepdims=True)


def _router(xf, t_emb, router_W, router_bias):
    return pl.pallas_call(
        _k0_body,
        grid=(1,),
        in_specs=[
            pl.BlockSpec((N_TOK, D), lambda i: (0, 0)),
            pl.BlockSpec((1, D), lambda i: (0, 0)),
            pl.BlockSpec((E, 2 * D), lambda i: (0, 0)),
            pl.BlockSpec((1, E), lambda i: (0, 0)),
        ],
        out_specs=[
            pl.BlockSpec((N_TOK, TOP_K), lambda i: (0, 0)),
            pl.BlockSpec((N_TOK, 1), lambda i: (0, 0)),
            pl.BlockSpec((N_TOK, 1), lambda i: (0, 0)),
            pl.BlockSpec((BLK, 1), lambda i: (0, 0)),
        ],
        out_shape=[
            jax.ShapeDtypeStruct((N_TOK, TOP_K), jnp.float32),
            jax.ShapeDtypeStruct((N_TOK, 1), jnp.int32),
            jax.ShapeDtypeStruct((N_TOK, 1), jnp.int32),
            jax.ShapeDtypeStruct((BLK, 1), jnp.int32),
        ],
    )(xf, t_emb, router_W, router_bias.reshape(1, E))



def _k1_body(x_ref, sw1_ref, sw3_ref, sw2_ref, shared_ref):
    xb = x_ref[...]
    a = lax.dot_general(xb, sw1_ref[...], _NT,
                        preferred_element_type=jnp.float32)
    b = lax.dot_general(xb, sw3_ref[...], _NT,
                        preferred_element_type=jnp.float32)
    h = a * jax.nn.sigmoid(a) * b
    shared_ref[...] = lax.dot_general(h, sw2_ref[...], _NT,
                                      preferred_element_type=jnp.float32)


def _shared_expert(xf, sw1, sw3, sw2):
    grid = N_TOK // BT
    return pl.pallas_call(
        _k1_body,
        grid=(grid,),
        in_specs=[
            pl.BlockSpec((BT, D), lambda i: (i, 0)),
            pl.BlockSpec((H_SHARED, D), lambda i: (0, 0)),
            pl.BlockSpec((H_SHARED, D), lambda i: (0, 0)),
            pl.BlockSpec((D, H_SHARED), lambda i: (0, 0)),
        ],
        out_specs=pl.BlockSpec((BT, D), lambda i: (i, 0)),
        out_shape=jax.ShapeDtypeStruct((N_TOK, D), jnp.float32),
    )(xf, sw1, sw3, sw2)



def _k5_body(shared_ref, rows0_ref, rows1_ref, gates_ref, out_ref):
    g = gates_ref[...]
    out_ref[...] = (shared_ref[...] + g[:, 0:1] * rows0_ref[...]
                    + g[:, 1:2] * rows1_ref[...]) * (1.0 / (1 + TOP_K))


def _combine_tc(shared, rows0, rows1, gates):
    grid = N_TOK // BT
    return pl.pallas_call(
        _k5_body,
        grid=(grid,),
        in_specs=[
            pl.BlockSpec((BT, D), lambda i: (i, 0)),
            pl.BlockSpec((BT, D), lambda i: (i, 0)),
            pl.BlockSpec((BT, D), lambda i: (i, 0)),
            pl.BlockSpec((BT, TOP_K), lambda i: (i, 0)),
        ],
        out_specs=pl.BlockSpec((BT, D), lambda i: (i, 0)),
        out_shape=jax.ShapeDtypeStruct((N_TOK, D), jnp.float32),
    )(shared, rows0, rows1, gates)



_TPW = N_TOK // NW


def _k2_body(slots0_hbm, slots1_hbm, xf_hbm, xs_hbm,
             idx0_v, idx1_v, rows_v, sem0, sem1):
    wid = lax.axis_index("s") * 2 + lax.axis_index("c")
    base = wid * _TPW
    pltpu.sync_copy(slots0_hbm.at[pl.ds(base, _TPW)], idx0_v)
    pltpu.sync_copy(slots1_hbm.at[pl.ds(base, _TPW)], idx1_v)
    pltpu.sync_copy(xf_hbm.at[pl.ds(base, _TPW)], rows_v)
    cp0 = pltpu.async_copy(rows_v, xs_hbm.at[idx0_v], sem0)
    cp1 = pltpu.async_copy(rows_v, xs_hbm.at[idx1_v], sem1)
    cp0.wait()
    cp1.wait()


def _scatter_sc(slots0, slots1, xf):
    mesh = plsc.VectorSubcoreMesh(core_axis_name="c", subcore_axis_name="s")
    f = functools.partial(
        pl.kernel,
        out_type=jax.ShapeDtypeStruct((P_ROWS, D), jnp.float32),
        mesh=mesh,
        scratch_types=[
            pltpu.VMEM((_TPW,), jnp.int32),
            pltpu.VMEM((_TPW,), jnp.int32),
            pltpu.VMEM((_TPW, D), jnp.float32),
            pltpu.SemaphoreType.DMA,
            pltpu.SemaphoreType.DMA,
        ],
    )
    return f(_k2_body)(slots0, slots1, xf)



def _k3_body(bem_ref, xs_ref, ew1_ref, ew2_ref, ys_ref):
    h = jnp.dot(xs_ref[...], ew1_ref[0],
                preferred_element_type=jnp.float32)
    h = h * 0.5 * (1.0 + jax.lax.erf(h * (2.0 ** -0.5)))
    ys_ref[...] = jnp.dot(h, ew2_ref[0],
                          preferred_element_type=jnp.float32)


def _expert_ffn(xs, ew1, ew2, bem):
    grid_spec = pltpu.PrefetchScalarGridSpec(
        num_scalar_prefetch=1,
        grid=(NB,),
        in_specs=[
            pl.BlockSpec((BLK, D), lambda b, bem: (b, 0)),
            pl.BlockSpec((1, D, H_ROUTED), lambda b, bem: (bem[b], 0, 0)),
            pl.BlockSpec((1, H_ROUTED, D), lambda b, bem: (bem[b], 0, 0)),
        ],
        out_specs=pl.BlockSpec((BLK, D), lambda b, bem: (b, 0)),
    )
    return pl.pallas_call(
        _k3_body,
        grid_spec=grid_spec,
        out_shape=jax.ShapeDtypeStruct((P_ROWS, D), jnp.float32),
    )(bem, xs, ew1, ew2)



def _k4_body(slots0_hbm, slots1_hbm, ys_hbm, rows0_hbm, rows1_hbm,
             idx0_v, idx1_v, rows0_v, rows1_v, sem0, sem1):
    wid = lax.axis_index("s") * 2 + lax.axis_index("c")
    base = wid * _TPW
    pltpu.sync_copy(slots0_hbm.at[pl.ds(base, _TPW)], idx0_v)
    pltpu.sync_copy(slots1_hbm.at[pl.ds(base, _TPW)], idx1_v)
    cp0 = pltpu.async_copy(ys_hbm.at[idx0_v], rows0_v, sem0)
    cp1 = pltpu.async_copy(ys_hbm.at[idx1_v], rows1_v, sem1)
    cp0.wait()
    pltpu.sync_copy(rows0_v, rows0_hbm.at[pl.ds(base, _TPW)])
    cp1.wait()
    pltpu.sync_copy(rows1_v, rows1_hbm.at[pl.ds(base, _TPW)])


def _gather_sc(slots0, slots1, ys):
    mesh = plsc.VectorSubcoreMesh(core_axis_name="c", subcore_axis_name="s")
    f = functools.partial(
        pl.kernel,
        out_type=[
            jax.ShapeDtypeStruct((N_TOK, D), jnp.float32),
            jax.ShapeDtypeStruct((N_TOK, D), jnp.float32),
        ],
        mesh=mesh,
        scratch_types=[
            pltpu.VMEM((_TPW,), jnp.int32),
            pltpu.VMEM((_TPW,), jnp.int32),
            pltpu.VMEM((_TPW, D), jnp.float32),
            pltpu.VMEM((_TPW, D), jnp.float32),
            pltpu.SemaphoreType.DMA,
            pltpu.SemaphoreType.DMA,
        ],
    )
    return f(_k4_body)(slots0, slots1, ys)



def kernel(x, t_emb, router_W, sw1, sw3, sw2, ew1, ew2, router_bias):
    B, T, C = x.shape
    xf = x.reshape(-1, C)

    gates, slots0, slots1, bem = _router(xf, t_emb, router_W, router_bias)
    slots0 = slots0.reshape(N_TOK)
    slots1 = slots1.reshape(N_TOK)

    xs = _scatter_sc(slots0, slots1, xf)
    ys = _expert_ffn(xs, ew1, ew2, bem[:NB, 0])
    rows0, rows1 = _gather_sc(slots0, slots1, ys)
    shared = _shared_expert(xf, sw1, sw3, sw2)
    out = _combine_tc(shared, rows0, rows1, gates)
    return out.reshape(B, T, C)

# --- scband reference (transcript-rebuilt; emitter-appended) ---
"""Pipeline reference for scband-deep-seek-mo-elayer-38027640439046 (READ-ONLY COPY).

The authoritative reference and input builder live on the scoring server;
editing this copy changes nothing except your own understanding.
"""

import jax, jax.numpy as jnp
import numpy as np

E = 8
TOP_K = 2
D = 768
H_SHARED = 1536  # d_ff // 2
H_ROUTED = 768   # d_ff // 4
N_SHARED = 1


def setup_inputs(seed: int = 0) -> dict:
    key = jax.random.key(seed)
    ks = jax.random.split(key, 8)
    B, T = 1, 2048
    x = jax.random.normal(ks[0], (B, T, D), dtype=jnp.float32)
    t_emb = jax.random.normal(ks[1], (B, D), dtype=jnp.float32)
    router_W = jax.random.normal(ks[2], (E, 2 * D), dtype=jnp.float32) * 0.01
    sw1 = jax.random.normal(ks[3], (H_SHARED, D), dtype=jnp.float32) * 0.02
    sw3 = jax.random.normal(ks[4], (H_SHARED, D), dtype=jnp.float32) * 0.02
    sw2 = jax.random.normal(ks[5], (D, H_SHARED), dtype=jnp.float32) * 0.02
    ew1 = jax.random.normal(ks[6], (E, D, H_ROUTED), dtype=jnp.float32) * 0.02
    ew2 = jax.random.normal(ks[7], (E, H_ROUTED, D), dtype=jnp.float32) * 0.02
    router_bias = jnp.zeros((E,), dtype=jnp.float32)
    return {"x": x, "t_emb": t_emb, "router_W": router_W, "sw1": sw1, "sw3": sw3,
            "sw2": sw2, "ew1": ew1, "ew2": ew2, "router_bias": router_bias}


def reference(x, t_emb, router_W, sw1, sw3, sw2, ew1, ew2, router_bias):
    B, T, C = x.shape
    xf = x.reshape(-1, C)
    tf = jnp.broadcast_to(t_emb[:, None, :], (B, T, C)).reshape(-1, C)
    # shared expert (SwiGLU)
    shared = (jax.nn.silu(xf @ sw1.T) * (xf @ sw3.T)) @ sw2.T
    # router affinity (sigmoid, float32)
    s = jax.nn.sigmoid(jnp.concatenate([xf, tf], axis=-1) @ router_W.T).astype(jnp.float32)
    sel_scores = s + router_bias
    _, topi = jax.lax.top_k(sel_scores, TOP_K)
    # gates normalized over selected affinities
    s_sel = jnp.take_along_axis(s, topi, axis=1)
    denom = jnp.sum(s_sel, axis=1, keepdims=True)
    gates = jnp.where(denom > 1e-9, s_sel / (denom + 1e-9),
                      jnp.full_like(s_sel, 1.0 / TOP_K)).astype(x.dtype)
    # scatter-add combine weights per (token, expert)
    N = xf.shape[0]
    tok = jnp.broadcast_to(jnp.arange(N)[:, None], topi.shape)
    comb = jnp.zeros((N, E), dtype=x.dtype).at[tok, topi].add(gates)
    # routed experts (exact-GELU MLP); combine == gated scatter of per-expert outputs
    h = jax.nn.gelu(jnp.einsum('nd,edh->enh', xf, ew1), approximate=False)
    oe = jnp.einsum('enh,ehd->end', h, ew2)
    routed = jnp.einsum('end,ne->nd', oe, comb)
    out = (shared + routed) / (N_SHARED + TOP_K)
    return out.reshape(B, T, C)

if __name__ == "__main__":
    import jax
    _d = setup_inputs()
    print(jax.jit(kernel)(*tuple(_d.values())))

</pallas_src>

<mosaic_0001>
#map = affine_map<(d0, d1) -> (0)>
#map1 = affine_map<(d0, d1) -> (0, 0)>
module attributes {stable_mosaic.version = 14 : i64} {
  func.func @_k4_body(%arg0: i32, %arg1: i32, %arg2: memref<2048xi32, #tpu.memory_space<hbm>>, %arg3: memref<2048xi32, #tpu.memory_space<hbm>>, %arg4: memref<6144x768xf32, #tpu.memory_space<hbm>>, %arg5: memref<2048x768xf32, #tpu.memory_space<hbm>>, %arg6: memref<2048x768xf32, #tpu.memory_space<hbm>>, %arg7: memref<64xi32, #tpu.memory_space<vmem>>, %arg8: memref<64xi32, #tpu.memory_space<vmem>>, %arg9: memref<64x768xf32, #tpu.memory_space<vmem>>, %arg10: memref<64x768xf32, #tpu.memory_space<vmem>>, %arg11: memref<!tpu.dma_semaphore, #tpu.memory_space<semaphore_mem>>, %arg12: memref<!tpu.dma_semaphore, #tpu.memory_space<semaphore_mem>>) attributes {dimension_semantics = [#tpu.dimension_semantics<core_parallel>, #tpu.dimension_semantics<subcore_parallel>], iteration_bounds = array<i64: 2, 16>, scalar_prefetch = 0 : i64, scratch_operands = 6 : i64, tpu.core_type = #tpu.core_type<sc_vector_subcore>, window_params = [{transform_indices = #map}, {transform_indices = #map}, {transform_indices = #map1}, {transform_indices = #map1}, {transform_indices = #map1}]} {
    %mul3A = arith.constant 2 : i32
    %mul3A_0 = arith.muli %arg1, %mul3A : i32
    %add3A = arith.addi %mul3A_0, %arg0 : i32
    %mul3A_1 = arith.constant 64 : i32
    %mul3A_2 = arith.muli %add3A, %mul3A_1 : i32
    "tpu.region"() ({
      %run_scoped3A = tpu.sem_alloc : memref<!tpu.dma_semaphore, #tpu.memory_space<semaphore_mem>>
      %dma_start3A_13 = tpu.memref_slice %arg2[%mul3A_2] : memref<2048xi32, #tpu.memory_space<hbm>> -> memref<64xi32, #tpu.memory_space<hbm>>
      %dma_start3A_14 = tpu.memref_slice %arg2[%mul3A_2] : memref<2048xi32, #tpu.memory_space<hbm>> -> memref<64xi32, #tpu.memory_space<hbm>>
      tpu.enqueue_dma source(%dma_start3A_14 : memref<64xi32, #tpu.memory_space<hbm>>) target(%arg7 : memref<64xi32, #tpu.memory_space<vmem>>) target_semaphore(%run_scoped3A : memref<!tpu.dma_semaphore, #tpu.memory_space<semaphore_mem>>)
      %dma_wait3A_15 = tpu.memref_slice %arg2[%mul3A_2] : memref<2048xi32, #tpu.memory_space<hbm>> -> memref<64xi32, #tpu.memory_space<hbm>>
      %dma_wait3A_16 = tpu.memref_slice %arg2[%mul3A_2] : memref<2048xi32, #tpu.memory_space<hbm>> -> memref<64xi32, #tpu.memory_space<hbm>>
      tpu.wait_dma2 semaphore(%run_scoped3A : memref<!tpu.dma_semaphore, #tpu.memory_space<semaphore_mem>>) src(%dma_wait3A_16 : memref<64xi32, #tpu.memory_space<hbm>>) dst(%arg7 : memref<64xi32, #tpu.memory_space<vmem>>)
      tpu.yield
    }) : () -> ()
    "tpu.region"() ({
      %run_scoped3A = tpu.sem_alloc : memref<!tpu.dma_semaphore, #tpu.memory_space<semaphore_mem>>
      %dma_start3A_13 = tpu.memref_slice %arg3[%mul3A_2] : memref<2048xi32, #tpu.memory_space<hbm>> -> memref<64xi32, #tpu.memory_space<hbm>>
      %dma_start3A_14 = tpu.memref_slice %arg3[%mul3A_2] : memref<2048xi32, #tpu.memory_space<hbm>> -> memref<64xi32, #tpu.memory_space<hbm>>
      tpu.enqueue_dma source(%dma_start3A_14 : memref<64xi32, #tpu.memory_space<hbm>>) target(%arg8 : memref<64xi32, #tpu.memory_space<vmem>>) target_semaphore(%run_scoped3A : memref<!tpu.dma_semaphore, #tpu.memory_space<semaphore_mem>>)
      %dma_wait3A_15 = tpu.memref_slice %arg3[%mul3A_2] : memref<2048xi32, #tpu.memory_space<hbm>> -> memref<64xi32, #tpu.memory_space<hbm>>
      %dma_wait3A_16 = tpu.memref_slice %arg3[%mul3A_2] : memref<2048xi32, #tpu.memory_space<hbm>> -> memref<64xi32, #tpu.memory_space<hbm>>
      tpu.wait_dma2 semaphore(%run_scoped3A : memref<!tpu.dma_semaphore, #tpu.memory_space<semaphore_mem>>) src(%dma_wait3A_16 : memref<64xi32, #tpu.memory_space<hbm>>) dst(%arg8 : memref<64xi32, #tpu.memory_space<vmem>>)
      tpu.yield
    }) : () -> ()
    %dma_start3A = arith.constant 0 : i32
    %dma_start3A_3 = arith.constant 0 : i32
    %dma_start3A_4 = tpu.memref_slice %arg4[%dma_start3A, %dma_start3A_3] : memref<6144x768xf32, #tpu.memory_space<hbm>> -> memref<6144x768xf32, #tpu.memory_space<hbm>>
    tpu.enqueue_indirect_dma source(%dma_start3A_4 : memref<6144x768xf32, #tpu.memory_space<hbm>>) target(%arg9 : memref<64x768xf32, #tpu.memory_space<vmem>>) offsets(%arg7 : memref<64xi32, #tpu.memory_space<vmem>>) semaphore(%arg11 : memref<!tpu.dma_semaphore, #tpu.memory_space<semaphore_mem>>)
    %dma_start3A_5 = arith.constant 0 : i32
    %dma_start3A_6 = arith.constant 0 : i32
    %dma_start3A_7 = tpu.memref_slice %arg4[%dma_start3A_5, %dma_start3A_6] : memref<6144x768xf32, #tpu.memory_space<hbm>> -> memref<6144x768xf32, #tpu.memory_space<hbm>>
    tpu.enqueue_indirect_dma source(%dma_start3A_7 : memref<6144x768xf32, #tpu.memory_space<hbm>>) target(%arg10 : memref<64x768xf32, #tpu.memory_space<vmem>>) offsets(%arg8 : memref<64xi32, #tpu.memory_space<vmem>>) semaphore(%arg12 : memref<!tpu.dma_semaphore, #tpu.memory_space<semaphore_mem>>)
    %dma_wait3A = arith.constant 0 : i32
    %dma_wait3A_8 = arith.constant 0 : i32
    %dma_wait3A_9 = tpu.memref_slice %arg4[%dma_wait3A, %dma_wait3A_8] : memref<6144x768xf32, #tpu.memory_space<hbm>> -> memref<6144x768xf32, #tpu.memory_space<hbm>>
    tpu.wait_indirect_dma semaphore(%arg11 : memref<!tpu.dma_semaphore, #tpu.memory_space<semaphore_mem>>) src(%dma_wait3A_9 : memref<6144x768xf32, #tpu.memory_space<hbm>>) dst(%arg9 : memref<64x768xf32, #tpu.memory_space<vmem>>)
    "tpu.region"() ({
      %run_scoped3A = tpu.sem_alloc : memref<!tpu.dma_semaphore, #tpu.memory_space<semaphore_mem>>
      %dma_start3A_13 = arith.constant 0 : i32
      %dma_start3A_14 = tpu.memref_slice %arg5[%mul3A_2, %dma_start3A_13] : memref<2048x768xf32, #tpu.memory_space<hbm>> -> memref<64x768xf32, #tpu.memory_space<hbm>>
      %dma_start3A_15 = arith.constant 0 : i32
      %dma_start3A_16 = tpu.memref_slice %arg5[%mul3A_2, %dma_start3A_15] : memref<2048x768xf32, #tpu.memory_space<hbm>> -> memref<64x768xf32, #tpu.memory_space<hbm>>
      tpu.enqueue_dma source(%arg9 : memref<64x768xf32, #tpu.memory_space<vmem>>) target(%dma_start3A_16 : memref<64x768xf32, #tpu.memory_space<hbm>>) target_semaphore(%run_scoped3A : memref<!tpu.dma_semaphore, #tpu.memory_space<semaphore_mem>>)
      %dma_wait3A_17 = arith.constant 0 : i32
      %dma_wait3A_18 = tpu.memref_slice %arg5[%mul3A_2, %dma_wait3A_17] : memref<2048x768xf32, #tpu.memory_space<hbm>> -> memref<64x768xf32, #tpu.memory_space<hbm>>
      %dma_wait3A_19 = arith.constant 0 : i32
      %dma_wait3A_20 = tpu.memref_slice %arg5[%mul3A_2, %dma_wait3A_19] : memref<2048x768xf32, #tpu.memory_space<hbm>> -> memref<64x768xf32, #tpu.memory_space<hbm>>
      tpu.wait_dma2 semaphore(%run_scoped3A : memref<!tpu.dma_semaphore, #tpu.memory_space<semaphore_mem>>) src(%arg9 : memref<64x768xf32, #tpu.memory_space<vmem>>) dst(%dma_wait3A_20 : memref<64x768xf32, #tpu.memory_space<hbm>>)
      tpu.yield
    }) : () -> ()
    %dma_wait3A_10 = arith.constant 0 : i32
    %dma_wait3A_11 = arith.constant 0 : i32
    %dma_wait3A_12 = tpu.memref_slice %arg4[%dma_wait3A_10, %dma_wait3A_11] : memref<6144x768xf32, #tpu.memory_space<hbm>> -> memref<6144x768xf32, #tpu.memory_space<hbm>>
    tpu.wait_indirect_dma semaphore(%arg12 : memref<!tpu.dma_semaphore, #tpu.memory_space<semaphore_mem>>) src(%dma_wait3A_12 : memref<6144x768xf32, #tpu.memory_space<hbm>>) dst(%arg10 : memref<64x768xf32, #tpu.memory_space<vmem>>)
    "tpu.region"() ({
      %run_scoped3A = tpu.sem_alloc : memref<!tpu.dma_semaphore, #tpu.memory_space<semaphore_mem>>
      %dma_start3A_13 = arith.constant 0 : i32
      %dma_start3A_14 = tpu.memref_slice %arg6[%mul3A_2, %dma_start3A_13] : memref<2048x768xf32, #tpu.memory_space<hbm>> -> memref<64x768xf32, #tpu.memory_space<hbm>>
      %dma_start3A_15 = arith.constant 0 : i32
      %dma_start3A_16 = tpu.memref_slice %arg6[%mul3A_2, %dma_start3A_15] : memref<2048x768xf32, #tpu.memory_space<hbm>> -> memref<64x768xf32, #tpu.memory_space<hbm>>
      tpu.enqueue_dma source(%arg10 : memref<64x768xf32, #tpu.memory_space<vmem>>) target(%dma_start3A_16 : memref<64x768xf32, #tpu.memory_space<hbm>>) target_semaphore(%run_scoped3A : memref<!tpu.dma_semaphore, #tpu.memory_space<semaphore_mem>>)
      %dma_wait3A_17 = arith.constant 0 : i32
      %dma_wait3A_18 = tpu.memref_slice %arg6[%mul3A_2, %dma_wait3A_17] : memref<2048x768xf32, #tpu.memory_space<hbm>> -> memref<64x768xf32, #tpu.memory_space<hbm>>
      %dma_wait3A_19 = arith.constant 0 : i32
      %dma_wait3A_20 = tpu.memref_slice %arg6[%mul3A_2, %dma_wait3A_19] : memref<2048x768xf32, #tpu.memory_space<hbm>> -> memref<64x768xf32, #tpu.memory_space<hbm>>
      tpu.wait_dma2 semaphore(%run_scoped3A : memref<!tpu.dma_semaphore, #tpu.memory_space<semaphore_mem>>) src(%arg10 : memref<64x768xf32, #tpu.memory_space<vmem>>) dst(%dma_wait3A_20 : memref<64x768xf32, #tpu.memory_space<hbm>>)
      tpu.yield
    }) : () -> ()
    return
  }
}

#map = affine_map<(d0, d1) -> (0)>
#map1 = affine_map<(d0, d1) -> (0, 0)>
module attributes {stable_mosaic.version = 14 : i64} {
  func.func @_k2_body(%arg0: i32, %arg1: i32, %arg2: memref<2048xi32, #tpu.memory_space<hbm>>, %arg3: memref<2048xi32, #tpu.memory_space<hbm>>, %arg4: memref<2048x768xf32, #tpu.memory_space<hbm>>, %arg5: memref<6144x768xf32, #tpu.memory_space<hbm>>, %arg6: memref<64xi32, #tpu.memory_space<vmem>>, %arg7: memref<64xi32, #tpu.memory_space<vmem>>, %arg8: memref<64x768xf32, #tpu.memory_space<vmem>>, %arg9: memref<!tpu.dma_semaphore, #tpu.memory_space<semaphore_mem>>, %arg10: memref<!tpu.dma_semaphore, #tpu.memory_space<semaphore_mem>>) attributes {dimension_semantics = [#tpu.dimension_semantics<core_parallel>, #tpu.dimension_semantics<subcore_parallel>], iteration_bounds = array<i64: 2, 16>, scalar_prefetch = 0 : i64, scratch_operands = 5 : i64, tpu.core_type = #tpu.core_type<sc_vector_subcore>, window_params = [{transform_indices = #map}, {transform_indices = #map}, {transform_indices = #map1}, {transform_indices = #map1}]} {
    %mul3A = arith.constant 2 : i32
    %mul3A_0 = arith.muli %arg1, %mul3A : i32
    %add3A = arith.addi %mul3A_0, %arg0 : i32
    %mul3A_1 = arith.constant 64 : i32
    %mul3A_2 = arith.muli %add3A, %mul3A_1 : i32
    "tpu.region"() ({
      %run_scoped3A = tpu.sem_alloc : memref<!tpu.dma_semaphore, #tpu.memory_space<semaphore_mem>>
      %dma_start3A_13 = tpu.memref_slice %arg2[%mul3A_2] : memref<2048xi32, #tpu.memory_space<hbm>> -> memref<64xi32, #tpu.memory_space<hbm>>
      %dma_start3A_14 = tpu.memref_slice %arg2[%mul3A_2] : memref<2048xi32, #tpu.memory_space<hbm>> -> memref<64xi32, #tpu.memory_space<hbm>>
      tpu.enqueue_dma source(%dma_start3A_14 : memref<64xi32, #tpu.memory_space<hbm>>) target(%arg6 : memref<64xi32, #tpu.memory_space<vmem>>) target_semaphore(%run_scoped3A : memref<!tpu.dma_semaphore, #tpu.memory_space<semaphore_mem>>)
      %dma_wait3A_15 = tpu.memref_slice %arg2[%mul3A_2] : memref<2048xi32, #tpu.memory_space<hbm>> -> memref<64xi32, #tpu.memory_space<hbm>>
      %dma_wait3A_16 = tpu.memref_slice %arg2[%mul3A_2] : memref<2048xi32, #tpu.memory_space<hbm>> -> memref<64xi32, #tpu.memory_space<hbm>>
      tpu.wait_dma2 semaphore(%run_scoped3A : memref<!tpu.dma_semaphore, #tpu.memory_space<semaphore_mem>>) src(%dma_wait3A_16 : memref<64xi32, #tpu.memory_space<hbm>>) dst(%arg6 : memref<64xi32, #tpu.memory_space<vmem>>)
      tpu.yield
    }) : () -> ()
    "tpu.region"() ({
      %run_scoped3A = tpu.sem_alloc : memref<!tpu.dma_semaphore, #tpu.memory_space<semaphore_mem>>
      %dma_start3A_13 = tpu.memref_slice %arg3[%mul3A_2] : memref<2048xi32, #tpu.memory_space<hbm>> -> memref<64xi32, #tpu.memory_space<hbm>>
      %dma_start3A_14 = tpu.memref_slice %arg3[%mul3A_2] : memref<2048xi32, #tpu.memory_space<hbm>> -> memref<64xi32, #tpu.memory_space<hbm>>
      tpu.enqueue_dma source(%dma_start3A_14 : memref<64xi32, #tpu.memory_space<hbm>>) target(%arg7 : memref<64xi32, #tpu.memory_space<vmem>>) target_semaphore(%run_scoped3A : memref<!tpu.dma_semaphore, #tpu.memory_space<semaphore_mem>>)
      %dma_wait3A_15 = tpu.memref_slice %arg3[%mul3A_2] : memref<2048xi32, #tpu.memory_space<hbm>> -> memref<64xi32, #tpu.memory_space<hbm>>
      %dma_wait3A_16 = tpu.memref_slice %arg3[%mul3A_2] : memref<2048xi32, #tpu.memory_space<hbm>> -> memref<64xi32, #tpu.memory_space<hbm>>
      tpu.wait_dma2 semaphore(%run_scoped3A : memref<!tpu.dma_semaphore, #tpu.memory_space<semaphore_mem>>) src(%dma_wait3A_16 : memref<64xi32, #tpu.memory_space<hbm>>) dst(%arg7 : memref<64xi32, #tpu.memory_space<vmem>>)
      tpu.yield
    }) : () -> ()
    "tpu.region"() ({
      %run_scoped3A = tpu.sem_alloc : memref<!tpu.dma_semaphore, #tpu.memory_space<semaphore_mem>>
      %dma_start3A_13 = arith.constant 0 : i32
      %dma_start3A_14 = tpu.memref_slice %arg4[%mul3A_2, %dma_start3A_13] : memref<2048x768xf32, #tpu.memory_space<hbm>> -> memref<64x768xf32, #tpu.memory_space<hbm>>
      %dma_start3A_15 = arith.constant 0 : i32
      %dma_start3A_16 = tpu.memref_slice %arg4[%mul3A_2, %dma_start3A_15] : memref<2048x768xf32, #tpu.memory_space<hbm>> -> memref<64x768xf32, #tpu.memory_space<hbm>>
      tpu.enqueue_dma source(%dma_start3A_16 : memref<64x768xf32, #tpu.memory_space<hbm>>) target(%arg8 : memref<64x768xf32, #tpu.memory_space<vmem>>) target_semaphore(%run_scoped3A : memref<!tpu.dma_semaphore, #tpu.memory_space<semaphore_mem>>)
      %dma_wait3A_17 = arith.constant 0 : i32
      %dma_wait3A_18 = tpu.memref_slice %arg4[%mul3A_2, %dma_wait3A_17] : memref<2048x768xf32, #tpu.memory_space<hbm>> -> memref<64x768xf32, #tpu.memory_space<hbm>>
      %dma_wait3A_19 = arith.constant 0 : i32
      %dma_wait3A_20 = tpu.memref_slice %arg4[%mul3A_2, %dma_wait3A_19] : memref<2048x768xf32, #tpu.memory_space<hbm>> -> memref<64x768xf32, #tpu.memory_space<hbm>>
      tpu.wait_dma2 semaphore(%run_scoped3A : memref<!tpu.dma_semaphore, #tpu.memory_space<semaphore_mem>>) src(%dma_wait3A_20 : memref<64x768xf32, #tpu.memory_space<hbm>>) dst(%arg8 : memref<64x768xf32, #tpu.memory_space<vmem>>)
      tpu.yield
    }) : () -> ()
    %dma_start3A = arith.constant 0 : i32
    %dma_start3A_3 = arith.constant 0 : i32
    %dma_start3A_4 = tpu.memref_slice %arg5[%dma_start3A, %dma_start3A_3] : memref<6144x768xf32, #tpu.memory_space<hbm>> -> memref<6144x768xf32, #tpu.memory_space<hbm>>
    tpu.enqueue_indirect_dma source(%arg8 : memref<64x768xf32, #tpu.memory_space<vmem>>) target(%dma_start3A_4 : memref<6144x768xf32, #tpu.memory_space<hbm>>) offsets(%arg6 : memref<64xi32, #tpu.memory_space<vmem>>) semaphore(%arg9 : memref<!tpu.dma_semaphore, #tpu.memory_space<semaphore_mem>>)
    %dma_start3A_5 = arith.constant 0 : i32
    %dma_start3A_6 = arith.constant 0 : i32
    %dma_start3A_7 = tpu.memref_slice %arg5[%dma_start3A_5, %dma_start3A_6] : memref<6144x768xf32, #tpu.memory_space<hbm>> -> memref<6144x768xf32, #tpu.memory_space<hbm>>
    tpu.enqueue_indirect_dma source(%arg8 : memref<64x768xf32, #tpu.memory_space<vmem>>) target(%dma_start3A_7 : memref<6144x768xf32, #tpu.memory_space<hbm>>) offsets(%arg7 : memref<64xi32, #tpu.memory_space<vmem>>) semaphore(%arg10 : memref<!tpu.dma_semaphore, #tpu.memory_space<semaphore_mem>>)
    %dma_wait3A = arith.constant 0 : i32
    %dma_wait3A_8 = arith.constant 0 : i32
    %dma_wait3A_9 = tpu.memref_slice %arg5[%dma_wait3A, %dma_wait3A_8] : memref<6144x768xf32, #tpu.memory_space<hbm>> -> memref<6144x768xf32, #tpu.memory_space<hbm>>
    tpu.wait_indirect_dma semaphore(%arg9 : memref<!tpu.dma_semaphore, #tpu.memory_space<semaphore_mem>>) src(%arg8 : memref<64x768xf32, #tpu.memory_space<vmem>>) dst(%dma_wait3A_9 : memref<6144x768xf32, #tpu.memory_space<hbm>>)
    %dma_wait3A_10 = arith.constant 0 : i32
    %dma_wait3A_11 = arith.constant 0 : i32
    %dma_wait3A_12 = tpu.memref_slice %arg5[%dma_wait3A_10, %dma_wait3A_11] : memref<6144x768xf32, #tpu.memory_space<hbm>> -> memref<6144x768xf32, #tpu.memory_space<hbm>>
    tpu.wait_indirect_dma semaphore(%arg10 : memref<!tpu.dma_semaphore, #tpu.memory_space<semaphore_mem>>) src(%arg8 : memref<64x768xf32, #tpu.memory_space<vmem>>) dst(%dma_wait3A_12 : memref<6144x768xf32, #tpu.memory_space<hbm>>)
    return
  }
}

module attributes {stable_mosaic.version = 14 : i64} {
  func.func @_k3_body(%arg0: i32, %arg1: memref<24xi32, #tpu.memory_space<smem>>, %arg2: memref<256x768xf32, #tpu.memory_space<vmem>>, %arg3: memref<1x768x768xf32, #tpu.memory_space<vmem>>, %arg4: memref<1x768x768xf32, #tpu.memory_space<vmem>>, %arg5: memref<256x768xf32, #tpu.memory_space<vmem>>) attributes {dimension_semantics = [#tpu.dimension_semantics<arbitrary>], iteration_bounds = array<i64: 24>, scalar_prefetch = 1 : i64, scratch_operands = 0 : i64, tpu.core_type = #tpu.core_type<tc>, window_params = [{transform_indices = @transform_0, window_bounds = array<i64: 256, 768>}, {transform_indices = @transform_1, window_bounds = array<i64: 1, 768, 768>}, {transform_indices = @transform_2, window_bounds = array<i64: 1, 768, 768>}, {transform_indices = @transform_3, window_bounds = array<i64: 256, 768>}]} {
    %get3A = arith.constant 0 : index
    %get3A_0 = arith.constant 0 : index
    %get3A_1 = vector.load %arg2[%get3A, %get3A_0] : memref<256x768xf32, #tpu.memory_space<vmem>>, vector<256x768xf32>
    %get3A_2 = arith.constant 0 : index
    %get3A_3 = arith.constant 0 : index
    %get3A_4 = arith.constant 0 : index
    %get3A_5 = vector.load %arg3[%get3A_2, %get3A_3, %get3A_4] : memref<1x768x768xf32, #tpu.memory_space<vmem>>, vector<1x768x768xf32>
    %get3A_6 = vector.shape_cast %get3A_5 : vector<1x768x768xf32> to vector<768x768xf32>
    %dot_general3A = arith.constant dense<0.000000e+00> : vector<256x768xf32>
    %dot_general3A_7 = tpu.matmul %get3A_1, %get3A_6, %dot_general3A {dimension_numbers = #tpu.dot_dimension_numbers<[1], [0], [0], [1], [0, 0, 1, 1], [], []>, transpose_lhs_hint = false} : vector<256x768xf32>, vector<768x768xf32>, vector<256x768xf32> -> vector<256x768xf32>
    %mul3A = arith.constant 5.000000e-01 : f32
    %mul3A_8 = vector.broadcast %mul3A : f32 to vector<256x768xf32>
    %mul3A_9 = arith.mulf %dot_general3A_7, %mul3A_8 : vector<256x768xf32>
    %mul3A_10 = arith.constant 0.707106769 : f32
    %mul3A_11 = vector.broadcast %mul3A_10 : f32 to vector<256x768xf32>
    %mul3A_12 = arith.mulf %dot_general3A_7, %mul3A_11 : vector<256x768xf32>
    %erf3A = math.erf %mul3A_12 : vector<256x768xf32>
    %add3A = arith.constant 1.000000e+00 : f32
    %add3A_13 = vector.broadcast %add3A : f32 to vector<256x768xf32>
    %add3A_14 = arith.addf %add3A_13, %erf3A : vector<256x768xf32>
    %mul3A_15 = arith.mulf %mul3A_9, %add3A_14 : vector<256x768xf32>
    %get3A_16 = arith.constant 0 : index
    %get3A_17 = arith.constant 0 : index
    %get3A_18 = arith.constant 0 : index
    %get3A_19 = vector.load %arg4[%get3A_16, %get3A_17, %get3A_18] : memref<1x768x768xf32, #tpu.memory_space<vmem>>, vector<1x768x768xf32>
    %get3A_20 = vector.shape_cast %get3A_19 : vector<1x768x768xf32> to vector<768x768xf32>
    %dot_general3A_21 = arith.constant dense<0.000000e+00> : vector<256x768xf32>
    %dot_general3A_22 = tpu.matmul %mul3A_15, %get3A_20, %dot_general3A_21 {dimension_numbers = #tpu.dot_dimension_numbers<[1], [0], [0], [1], [0, 0, 1, 1], [], []>, transpose_lhs_hint = false} : vector<256x768xf32>, vector<768x768xf32>, vector<256x768xf32> -> vector<256x768xf32>
    %swap3A = arith.constant 0 : index
    %swap3A_23 = arith.constant 0 : index
    %swap3A_24 = vector.load %arg5[%swap3A, %swap3A_23] : memref<256x768xf32, #tpu.memory_space<vmem>>, vector<256x768xf32>
    tpu.vector_store %arg5[%swap3A, %swap3A_23], %dot_general3A_22 {strides = array<i32>} : memref<256x768xf32, #tpu.memory_space<vmem>>, vector<256x768xf32>,
    return
  }
  func.func @transform_0(%arg0: i32, %arg1: memref<24xi32, #tpu.memory_space<smem>>) -> (i32, i32) {
    %c0_i32 = arith.constant 0 : i32
    %c0_i32_0 = arith.constant 0 : i32
    return %arg0, %c0_i32 : i32, i32
  }
  func.func @transform_1(%arg0: i32, %arg1: memref<24xi32, #tpu.memory_space<smem>>) -> (i32, i32, i32) {
    %get3A = arith.index_cast %arg0 : i32 to index
    %get3A_0 = memref.load %arg1[%get3A] : memref<24xi32, #tpu.memory_space<smem>>
    %c0_i32 = arith.constant 0 : i32
    %c0_i32_1 = arith.constant 0 : i32
    %c0_i32_2 = arith.constant 0 : i32
    return %get3A_0, %c0_i32, %c0_i32_1 : i32, i32, i32
  }
  func.func @transform_2(%arg0: i32, %arg1: memref<24xi32, #tpu.memory_space<smem>>) -> (i32, i32, i32) {
    %get3A = arith.index_cast %arg0 : i32 to index
    %get3A_0 = memref.load %arg1[%get3A] : memref<24xi32, #tpu.memory_space<smem>>
    %c0_i32 = arith.constant 0 : i32
    %c0_i32_1 = arith.constant 0 : i32
    %c0_i32_2 = arith.constant 0 : i32
    return %get3A_0, %c0_i32, %c0_i32_1 : i32, i32, i32
  }
  func.func @transform_3(%arg0: i32, %arg1: memref<24xi32, #tpu.memory_space<smem>>) -> (i32, i32) {
    %c0_i32 = arith.constant 0 : i32
    %c0_i32_0 = arith.constant 0 : i32
    return %arg0, %c0_i32 : i32, i32
  }
}

module attributes {stable_mosaic.version = 14 : i64} {
  func.func @_k1_body(%arg0: i32, %arg1: memref<256x768xf32, #tpu.memory_space<vmem>>, %arg2: memref<1536x768xf32, #tpu.memory_space<vmem>>, %arg3: memref<1536x768xf32, #tpu.memory_space<vmem>>, %arg4: memref<768x1536xf32, #tpu.memory_space<vmem>>, %arg5: memref<256x768xf32, #tpu.memory_space<vmem>>) attributes {dimension_semantics = [#tpu.dimension_semantics<arbitrary>], iteration_bounds = array<i64: 8>, scalar_prefetch = 0 : i64, scratch_operands = 0 : i64, tpu.core_type = #tpu.core_type<tc>, window_params = [{transform_indices = @transform_0, window_bounds = array<i64: 256, 768>}, {pipeline_mode = #tpu.pipeline_mode<synchronous>, transform_indices = @transform_1, window_bounds = array<i64: 1536, 768>}, {pipeline_mode = #tpu.pipeline_mode<synchronous>, transform_indices = @transform_2, window_bounds = array<i64: 1536, 768>}, {pipeline_mode = #tpu.pipeline_mode<synchronous>, transform_indices = @transform_3, window_bounds = array<i64: 768, 1536>}, {transform_indices = @transform_4, window_bounds = array<i64: 256, 768>}]} {
    %get3A = arith.constant 0 : index
    %get3A_0 = arith.constant 0 : index
    %get3A_1 = vector.load %arg1[%get3A, %get3A_0] : memref<256x768xf32, #tpu.memory_space<vmem>>, vector<256x768xf32>
    %get3A_2 = arith.constant 0 : index
    %get3A_3 = arith.constant 0 : index
    %get3A_4 = vector.load %arg2[%get3A_2, %get3A_3] : memref<1536x768xf32, #tpu.memory_space<vmem>>, vector<1536x768xf32>
    %dot_general3A = arith.constant dense<0.000000e+00> : vector<256x1536xf32>
    %dot_general3A_5 = tpu.matmul %get3A_1, %get3A_4, %dot_general3A {dimension_numbers = #tpu.dot_dimension_numbers<[1], [1], [0], [0], [0, 0, 1, 0], [], []>, transpose_lhs_hint = false} : vector<256x768xf32>, vector<1536x768xf32>, vector<256x1536xf32> -> vector<256x1536xf32>
    %get3A_6 = arith.constant 0 : index
    %get3A_7 = arith.constant 0 : index
    %get3A_8 = vector.load %arg3[%get3A_6, %get3A_7] : memref<1536x768xf32, #tpu.memory_space<vmem>>, vector<1536x768xf32>
    %dot_general3A_9 = arith.constant dense<0.000000e+00> : vector<256x1536xf32>
    %dot_general3A_10 = tpu.matmul %get3A_1, %get3A_8, %dot_general3A_9 {dimension_numbers = #tpu.dot_dimension_numbers<[1], [1], [0], [0], [0, 0, 1, 0], [], []>, transpose_lhs_hint = false} : vector<256x768xf32>, vector<1536x768xf32>, vector<256x1536xf32> -> vector<256x1536xf32>
    %logistic3A = arith.negf %dot_general3A_5 : vector<256x1536xf32>
    %logistic3A_11 = math.exp %logistic3A : vector<256x1536xf32>
    %logistic3A_12 = arith.constant 1.000000e+00 : f32
    %logistic3A_13 = vector.broadcast %logistic3A_12 : f32 to vector<256x1536xf32>
    %logistic3A_14 = arith.addf %logistic3A_13, %logistic3A_11 : vector<256x1536xf32>
    %logistic3A_15 = arith.divf %logistic3A_13, %logistic3A_14 : vector<256x1536xf32>
    %mul3A = arith.mulf %dot_general3A_5, %logistic3A_15 : vector<256x1536xf32>
    %mul3A_16 = arith.mulf %mul3A, %dot_general3A_10 : vector<256x1536xf32>
    %get3A_17 = arith.constant 0 : index
    %get3A_18 = arith.constant 0 : index
    %get3A_19 = vector.load %arg4[%get3A_17, %get3A_18] : memref<768x1536xf32, #tpu.memory_space<vmem>>, vector<768x1536xf32>
    %dot_general3A_20 = arith.constant dense<0.000000e+00> : vector<256x768xf32>
    %dot_general3A_21 = tpu.matmul %mul3A_16, %get3A_19, %dot_general3A_20 {dimension_numbers = #tpu.dot_dimension_numbers<[1], [1], [0], [0], [0, 0, 1, 0], [], []>, transpose_lhs_hint = false} : vector<256x1536xf32>, vector<768x1536xf32>, vector<256x768xf32> -> vector<256x768xf32>
    %swap3A = arith.constant 0 : index
    %swap3A_22 = arith.constant 0 : index
    %swap3A_23 = vector.load %arg5[%swap3A, %swap3A_22] : memref<256x768xf32, #tpu.memory_space<vmem>>, vector<256x768xf32>
    tpu.vector_store %arg5[%swap3A, %swap3A_22], %dot_general3A_21 {strides = array<i32>} : memref<256x768xf32, #tpu.memory_space<vmem>>, vector<256x768xf32>,
    return
  }
  func.func @transform_0(%arg0: i32) -> (i32, i32) {
    %c0_i32 = arith.constant 0 : i32
    %c0_i32_0 = arith.constant 0 : i32
    return %arg0, %c0_i32 : i32, i32
  }
  func.func @transform_1(%arg0: i32) -> (i32, i32) {
    %c0_i32 = arith.constant 0 : i32
    %c0_i32_0 = arith.constant 0 : i32
    %c0_i32_1 = arith.constant 0 : i32
    return %c0_i32, %c0_i32_0 : i32, i32
  }
  func.func @transform_2(%arg0: i32) -> (i32, i32) {
    %c0_i32 = arith.constant 0 : i32
    %c0_i32_0 = arith.constant 0 : i32
    %c0_i32_1 = arith.constant 0 : i32
    return %c0_i32, %c0_i32_0 : i32, i32
  }
  func.func @transform_3(%arg0: i32) -> (i32, i32) {
    %c0_i32 = arith.constant 0 : i32
    %c0_i32_0 = arith.constant 0 : i32
    %c0_i32_1 = arith.constant 0 : i32
    return %c0_i32, %c0_i32_0 : i32, i32
  }
  func.func @transform_4(%arg0: i32) -> (i32, i32) {
    %c0_i32 = arith.constant 0 : i32
    %c0_i32_0 = arith.constant 0 : i32
    return %arg0, %c0_i32 : i32, i32
  }
}

module attributes {stable_mosaic.version = 14 : i64} {
  func.func @_k0_body(%arg0: i32, %arg1: memref<2048x768xf32, #tpu.memory_space<vmem>>, %arg2: memref<1x768xf32, #tpu.memory_space<vmem>>, %arg3: memref<8x1536xf32, #tpu.memory_space<vmem>>, %arg4: memref<1x8xf32, #tpu.memory_space<vmem>>, %arg5: memref<2048x2xf32, #tpu.memory_space<vmem>>, %arg6: memref<2048x1xi32, #tpu.memory_space<vmem>>, %arg7: memref<2048x1xi32, #tpu.memory_space<vmem>>, %arg8: memref<256x1xi32, #tpu.memory_space<vmem>>) attributes {dimension_semantics = [#tpu.dimension_semantics<arbitrary>], iteration_bounds = array<i64: 1>, scalar_prefetch = 0 : i64, scratch_operands = 0 : i64, tpu.core_type = #tpu.core_type<tc>, window_params = [{pipeline_mode = #tpu.pipeline_mode<synchronous>, transform_indices = @transform_0, window_bounds = array<i64: 2048, 768>}, {pipeline_mode = #tpu.pipeline_mode<synchronous>, transform_indices = @transform_1, window_bounds = array<i64: 1, 768>}, {pipeline_mode = #tpu.pipeline_mode<synchronous>, transform_indices = @transform_2, window_bounds = array<i64: 8, 1536>}, {pipeline_mode = #tpu.pipeline_mode<synchronous>, transform_indices = @transform_3, window_bounds = array<i64: 1, 8>}, {pipeline_mode = #tpu.pipeline_mode<synchronous>, transform_indices = @transform_4, window_bounds = array<i64: 2048, 2>}, {pipeline_mode = #tpu.pipeline_mode<synchronous>, transform_indices = @transform_5, window_bounds = array<i64: 2048, 1>}, {pipeline_mode = #tpu.pipeline_mode<synchronous>, transform_indices = @transform_6, window_bounds = array<i64: 2048, 1>}, {pipeline_mode = #tpu.pipeline_mode<synchronous>, transform_indices = @transform_7, window_bounds = array<i64: 256, 1>}]} {
    %get3A = arith.constant 0 : index
    %get3A_0 = arith.constant 0 : index
    %get3A_1 = vector.load %arg1[%get3A, %get3A_0] : memref<2048x768xf32, #tpu.memory_space<vmem>>, vector<2048x768xf32>
    %get3A_2 = arith.constant 0 : index
    %get3A_3 = arith.constant 0 : index
    %get3A_4 = vector.load %arg3[%get3A_2, %get3A_3] : memref<8x1536xf32, #tpu.memory_space<vmem>>, vector<8x768xf32>
    %get3A_5 = arith.constant 0 : index
    %get3A_6 = arith.constant 768 : index
    %get3A_7 = vector.load %arg3[%get3A_5, %get3A_6] : memref<8x1536xf32, #tpu.memory_space<vmem>>, vector<8x768xf32>
    %dot_general3A = arith.constant dense<0.000000e+00> : vector<2048x8xf32>
    %dot_general3A_8 = tpu.matmul %get3A_1, %get3A_4, %dot_general3A {dimension_numbers = #tpu.dot_dimension_numbers<[1], [1], [0], [0], [0, 0, 1, 0], [], []>, transpose_lhs_hint = false} : vector<2048x768xf32>, vector<8x768xf32>, vector<2048x8xf32> -> vector<2048x8xf32>
    %get3A_9 = arith.constant 0 : index
    %get3A_10 = arith.constant 0 : index
    %get3A_11 = vector.load %arg2[%get3A_9, %get3A_10] : memref<1x768xf32, #tpu.memory_space<vmem>>, vector<1x768xf32>
    %dot_general3A_12 = arith.constant dense<0.000000e+00> : vector<1x8xf32>
    %dot_general3A_13 = tpu.matmul %get3A_11, %get3A_7, %dot_general3A_12 {dimension_numbers = #tpu.dot_dimension_numbers<[1], [1], [0], [0], [0, 0, 1, 0], [], []>, transpose_lhs_hint = false} : vector<1x768xf32>, vector<8x768xf32>, vector<1x8xf32> -> vector<1x8xf32>
    %add3A = vector.broadcast %dot_general3A_13 : vector<1x8xf32> to vector<2048x8xf32>
    %add3A_14 = arith.addf %dot_general3A_8, %add3A : vector<2048x8xf32>
    %logistic3A = arith.negf %add3A_14 : vector<2048x8xf32>
    %logistic3A_15 = math.exp %logistic3A : vector<2048x8xf32>
    %logistic3A_16 = arith.constant 1.000000e+00 : f32
    %logistic3A_17 = vector.broadcast %logistic3A_16 : f32 to vector<2048x8xf32>
    %logistic3A_18 = arith.addf %logistic3A_17, %logistic3A_15 : vector<2048x8xf32>
    %logistic3A_19 = arith.divf %logistic3A_17, %logistic3A_18 : vector<2048x8xf32>
    %get3A_20 = arith.constant 0 : index
    %get3A_21 = arith.constant 0 : index
    %get3A_22 = vector.load %arg4[%get3A_20, %get3A_21] : memref<1x8xf32, #tpu.memory_space<vmem>>, vector<1x8xf32>
    %add3A_23 = vector.broadcast %get3A_22 : vector<1x8xf32> to vector<2048x8xf32>
    %add3A_24 = arith.addf %logistic3A_19, %add3A_23 : vector<2048x8xf32>
    %iota3A = tpu.iota {dimensions = array<i32: 1>} : vector<2048x8xi32>
    %reduce_max3A = arith.constant dense<0xFF800000> : vector<2048xf32>
    %reduce_max3A_25 = vector.multi_reduction <maximumf>, %add3A_24, %reduce_max3A [1] : vector<2048x8xf32> to vector<2048xf32>
    %broadcast_in_dim3A = vector.shape_cast %reduce_max3A_25 : vector<2048xf32> to vector<2048x1xf32>
    %eq3A = vector.broadcast %broadcast_in_dim3A : vector<2048x1xf32> to vector<2048x8xf32>
    %eq3A_26 = arith.cmpf oeq, %add3A_24, %eq3A : vector<2048x8xf32>
    %jit3A = arith.constant 8 : i32
    %broadcast_in_dim3A_27 = vector.broadcast %jit3A : i32 to vector<2048x8xi32>
    %select_n3A = arith.select %eq3A_26, %iota3A, %broadcast_in_dim3A_27 : vector<2048x8xi1>, vector<2048x8xi32>
    %reduce_min3A = arith.constant dense<2147483647> : vector<2048xi32>
    %reduce_min3A_28 = vector.multi_reduction <minsi>, %select_n3A, %reduce_min3A [1] : vector<2048x8xi32> to vector<2048xi32>
    %broadcast_in_dim3A_29 = vector.shape_cast %reduce_min3A_28 : vector<2048xi32> to vector<2048x1xi32>
    %eq3A_30 = vector.broadcast %broadcast_in_dim3A_29 : vector<2048x1xi32> to vector<2048x8xi32>
    %eq3A_31 = arith.cmpi eq, %iota3A, %eq3A_30 : vector<2048x8xi32>
    %jit3A_32 = arith.constant 0xFF800000 : f32
    %broadcast_in_dim3A_33 = vector.broadcast %jit3A_32 : f32 to vector<2048x8xf32>
    %select_n3A_34 = arith.select %eq3A_31, %broadcast_in_dim3A_33, %add3A_24 : vector<2048x8xi1>, vector<2048x8xf32>
    %reduce_max3A_35 = arith.constant dense<0xFF800000> : vector<2048xf32>
    %reduce_max3A_36 = vector.multi_reduction <maximumf>, %select_n3A_34, %reduce_max3A_35 [1] : vector<2048x8xf32> to vector<2048xf32>
    %broadcast_in_dim3A_37 = vector.shape_cast %reduce_max3A_36 : vector<2048xf32> to vector<2048x1xf32>
    %eq3A_38 = vector.broadcast %broadcast_in_dim3A_37 : vector<2048x1xf32> to vector<2048x8xf32>
    %eq3A_39 = arith.cmpf oeq, %select_n3A_34, %eq3A_38 : vector<2048x8xf32>
    %jit3A_40 = arith.constant 8 : i32
    %broadcast_in_dim3A_41 = vector.broadcast %jit3A_40 : i32 to vector<2048x8xi32>
    %select_n3A_42 = arith.select %eq3A_39, %iota3A, %broadcast_in_dim3A_41 : vector<2048x8xi1>, vector<2048x8xi32>
    %reduce_min3A_43 = arith.constant dense<2147483647> : vector<2048xi32>
    %reduce_min3A_44 = vector.multi_reduction <minsi>, %select_n3A_42, %reduce_min3A_43 [1] : vector<2048x8xi32> to vector<2048xi32>
    %broadcast_in_dim3A_45 = vector.shape_cast %reduce_min3A_44 : vector<2048xi32> to vector<2048x1xi32>
    %eq3A_46 = vector.broadcast %broadcast_in_dim3A_29 : vector<2048x1xi32> to vector<2048x8xi32>
    %eq3A_47 = arith.cmpi eq, %iota3A, %eq3A_46 : vector<2048x8xi32>
    %jit3A_48 = arith.constant 0.000000e+00 : f32
    %broadcast_in_dim3A_49 = vector.broadcast %jit3A_48 : f32 to vector<2048x8xf32>
    %select_n3A_50 = arith.select %eq3A_47, %logistic3A_19, %broadcast_in_dim3A_49 : vector<2048x8xi1>, vector<2048x8xf32>
    %reduce_sum3A = arith.constant dense<0.000000e+00> : vector<2048xf32>
    %reduce_sum3A_51 = vector.multi_reduction <add>, %select_n3A_50, %reduce_sum3A [1] : vector<2048x8xf32> to vector<2048xf32>
    %broadcast_in_dim3A_52 = vector.shape_cast %reduce_sum3A_51 : vector<2048xf32> to vector<2048x1xf32>
    %eq3A_53 = vector.broadcast %broadcast_in_dim3A_45 : vector<2048x1xi32> to vector<2048x8xi32>
    %eq3A_54 = arith.cmpi eq, %iota3A, %eq3A_53 : vector<2048x8xi32>
    %jit3A_55 = arith.constant 0.000000e+00 : f32
    %broadcast_in_dim3A_56 = vector.broadcast %jit3A_55 : f32 to vector<2048x8xf32>
    %select_n3A_57 = arith.select %eq3A_54, %logistic3A_19, %broadcast_in_dim3A_56 : vector<2048x8xi1>, vector<2048x8xf32>
    %reduce_sum3A_58 = arith.constant dense<0.000000e+00> : vector<2048xf32>
    %reduce_sum3A_59 = vector.multi_reduction <add>, %select_n3A_57, %reduce_sum3A_58 [1] : vector<2048x8xf32> to vector<2048xf32>
    %broadcast_in_dim3A_60 = vector.shape_cast %reduce_sum3A_59 : vector<2048xf32> to vector<2048x1xf32>
    %add3A_61 = arith.addf %broadcast_in_dim3A_52, %broadcast_in_dim3A_60 : vector<2048x1xf32>
    %gt3A = arith.constant 9.99999971E-10 : f32
    %gt3A_62 = vector.broadcast %gt3A : f32 to vector<2048x1xf32>
    %gt3A_63 = arith.cmpf ogt, %add3A_61, %gt3A_62 : vector<2048x1xf32>
    %add3A_64 = arith.constant 9.99999971E-10 : f32
    %add3A_65 = vector.broadcast %add3A_64 : f32 to vector<2048x1xf32>
    %add3A_66 = arith.addf %add3A_61, %add3A_65 : vector<2048x1xf32>
    %div3A = arith.divf %broadcast_in_dim3A_52, %add3A_66 : vector<2048x1xf32>
    %jit3A_67 = arith.constant 5.000000e-01 : f32
    %broadcast_in_dim3A_68 = vector.broadcast %jit3A_67 : f32 to vector<2048x1xf32>
    %select_n3A_69 = arith.select %gt3A_63, %div3A, %broadcast_in_dim3A_68 : vector<2048x1xi1>, vector<2048x1xf32>
    %add3A_70 = arith.constant 9.99999971E-10 : f32
    %add3A_71 = vector.broadcast %add3A_70 : f32 to vector<2048x1xf32>
    %add3A_72 = arith.addf %add3A_61, %add3A_71 : vector<2048x1xf32>
    %div3A_73 = arith.divf %broadcast_in_dim3A_60, %add3A_72 : vector<2048x1xf32>
    %jit3A_74 = arith.constant 5.000000e-01 : f32
    %broadcast_in_dim3A_75 = vector.broadcast %jit3A_74 : f32 to vector<2048x1xf32>
    %select_n3A_76 = arith.select %gt3A_63, %div3A_73, %broadcast_in_dim3A_75 : vector<2048x1xi1>, vector<2048x1xf32>
    %swap3A = arith.constant 0 : index
    %swap3A_77 = arith.constant 0 : index
    %swap3A_78 = vector.load %arg5[%swap3A, %swap3A_77] : memref<2048x2xf32, #tpu.memory_space<vmem>>, vector<2048x1xf32>
    tpu.vector_store %arg5[%swap3A, %swap3A_77], %select_n3A_69 {strides = array<i32>} : memref<2048x2xf32, #tpu.memory_space<vmem>>, vector<2048x1xf32>,
    %swap3A_79 = arith.constant 0 : index
    %swap3A_80 = arith.constant 1 : index
    %swap3A_81 = vector.load %arg5[%swap3A_79, %swap3A_80] : memref<2048x2xf32, #tpu.memory_space<vmem>>, vector<2048x1xf32>
    tpu.vector_store %arg5[%swap3A_79, %swap3A_80], %select_n3A_76 {strides = array<i32>} : memref<2048x2xf32, #tpu.memory_space<vmem>>, vector<2048x1xf32>,
    %eq3A_82 = vector.broadcast %broadcast_in_dim3A_29 : vector<2048x1xi32> to vector<2048x8xi32>
    %eq3A_83 = arith.cmpi eq, %iota3A, %eq3A_82 : vector<2048x8xi32>
    %convert_element_type3A = arith.extui %eq3A_83 : vector<2048x8xi1> to vector<2048x8xi32>
    %convert_element_type3A_84 = arith.sitofp %convert_element_type3A : vector<2048x8xi32> to vector<2048x8xf32>
    %eq3A_85 = vector.broadcast %broadcast_in_dim3A_45 : vector<2048x1xi32> to vector<2048x8xi32>
    %eq3A_86 = arith.cmpi eq, %iota3A, %eq3A_85 : vector<2048x8xi32>
    %convert_element_type3A_87 = arith.extui %eq3A_86 : vector<2048x8xi1> to vector<2048x8xi32>
    %convert_element_type3A_88 = arith.sitofp %convert_element_type3A_87 : vector<2048x8xi32> to vector<2048x8xf32>
    %add3A_89 = arith.addf %convert_element_type3A_84, %convert_element_type3A_88 : vector<2048x8xf32>
    %reduce_sum3A_90 = arith.constant dense<0.000000e+00> : vector<8xf32>
    %reduce_sum3A_91 = vector.multi_reduction <add>, %add3A_89, %reduce_sum3A_90 [0] : vector<2048x8xf32> to vector<8xf32>
    %broadcast_in_dim3A_92 = vector.shape_cast %reduce_sum3A_91 : vector<8xf32> to vector<1x8xf32>
    %convert_element_type3A_93 = arith.fptosi %broadcast_in_dim3A_92 : vector<1x8xf32> to vector<1x8xi32>
    %add3A_94 = arith.constant 255 : i32
    %add3A_95 = vector.broadcast %add3A_94 : i32 to vector<1x8xi32>
    %add3A_96 = arith.addi %convert_element_type3A_93, %add3A_95 : vector<1x8xi32>
    %shift_right_arithmetic3A = arith.constant 8 : i32
    %shift_right_arithmetic3A_97 = vector.broadcast %shift_right_arithmetic3A : i32 to vector<1x8xi32>
    %shift_right_arithmetic3A_98 = arith.shrsi %add3A_96, %shift_right_arithmetic3A_97 : vector<1x8xi32>
    %shift_left3A = arith.constant 8 : i32
    %shift_left3A_99 = vector.broadcast %shift_left3A : i32 to vector<1x8xi32>
    %shift_left3A_100 = arith.shli %shift_right_arithmetic3A_98, %shift_left3A_99 : vector<1x8xi32>
    %iota3A_101 = tpu.iota {dimensions = array<i32: 0>} : vector<8x8xi32>
    %iota3A_102 = tpu.iota {dimensions = array<i32: 1>} : vector<8x8xi32>
    %lt3A = arith.cmpi slt, %iota3A_101, %iota3A_102 : vector<8x8xi32>
    %convert_element_type3A_103 = arith.extui %lt3A : vector<8x8xi1> to vector<8x8xi32>
    %convert_element_type3A_104 = arith.sitofp %convert_element_type3A_103 : vector<8x8xi32> to vector<8x8xf32>
    %convert_element_type3A_105 = arith.sitofp %shift_left3A_100 : vector<1x8xi32> to vector<1x8xf32>
    %dot_general3A_106 = arith.constant dense<0.000000e+00> : vector<1x8xf32>
    %dot_general3A_107 = tpu.matmul %convert_element_type3A_105, %convert_element_type3A_104, %dot_general3A_106 {dimension_numbers = #tpu.dot_dimension_numbers<[1], [0], [0], [1], [0, 0, 1, 1], [], []>, transpose_lhs_hint = false} : vector<1x8xf32>, vector<8x8xf32>, vector<1x8xf32> -> vector<1x8xf32>
    %iota3A_108 = tpu.iota {dimensions = array<i32: 0>} : vector<256x8xi32>
    %mul3A = arith.constant 256 : i32
    %mul3A_109 = vector.broadcast %mul3A : i32 to vector<256x8xi32>
    %mul3A_110 = arith.muli %iota3A_108, %mul3A_109 : vector<256x8xi32>
    %convert_element_type3A_111 = arith.sitofp %mul3A_110 : vector<256x8xi32> to vector<256x8xf32>
    %ge3A = vector.broadcast %dot_general3A_107 : vector<1x8xf32> to vector<256x8xf32>
    %ge3A_112 = arith.cmpf oge, %convert_element_type3A_111, %ge3A : vector<256x8xf32>
    %convert_element_type3A_113 = arith.extui %ge3A_112 : vector<256x8xi1> to vector<256x8xi32>
    %convert_element_type3A_114 = arith.sitofp %convert_element_type3A_113 : vector<256x8xi32> to vector<256x8xf32>
    %reduce_sum3A_115 = arith.constant dense<0.000000e+00> : vector<256xf32>
    %reduce_sum3A_116 = vector.multi_reduction <add>, %convert_element_type3A_114, %reduce_sum3A_115 [1] : vector<256x8xf32> to vector<256xf32>
    %broadcast_in_dim3A_117 = vector.shape_cast %reduce_sum3A_116 : vector<256xf32> to vector<256x1xf32>
    %sub3A = arith.constant 1.000000e+00 : f32
    %sub3A_118 = vector.broadcast %sub3A : f32 to vector<256x1xf32>
    %sub3A_119 = arith.subf %broadcast_in_dim3A_117, %sub3A_118 : vector<256x1xf32>
    %convert_element_type3A_120 = arith.fptosi %sub3A_119 : vector<256x1xf32> to vector<256x1xi32>
    %swap3A_121 = arith.constant 0 : index
    %swap3A_122 = arith.constant 0 : index
    %swap3A_123 = vector.load %arg8[%swap3A_121, %swap3A_122] : memref<256x1xi32, #tpu.memory_space<vmem>>, vector<256x1xi32>
    tpu.vector_store %arg8[%swap3A_121, %swap3A_122], %convert_element_type3A_120 {strides = array<i32>} : memref<256x1xi32, #tpu.memory_space<vmem>>, vector<256x1xi32>,
    %iota3A_124 = tpu.iota {dimensions = array<i32: 0>} : vector<256x256xi32>
    %iota3A_125 = tpu.iota {dimensions = array<i32: 1>} : vector<256x256xi32>
    %lt3A_126 = arith.cmpi slt, %iota3A_125, %iota3A_124 : vector<256x256xi32>
    %convert_element_type3A_127 = arith.extui %lt3A_126 : vector<256x256xi1> to vector<256x256xi32>
    %convert_element_type3A_128 = arith.sitofp %convert_element_type3A_127 : vector<256x256xi32> to vector<256x256xf32>
    %broadcast_in_dim3A_129 = arith.constant 0.000000e+00 : f32
    %broadcast_in_dim3A_130 = vector.broadcast %broadcast_in_dim3A_129 : f32 to vector<1x8xf32>
    %slice3A = vector.extract_strided_slice %add3A_89 {offsets = [0, 0], sizes = [256, 8], strides = [1, 1]} : vector<2048x8xf32> to vector<256x8xf32>
    %dot_general3A_131 = arith.constant dense<0.000000e+00> : vector<256x8xf32>
    %dot_general3A_132 = tpu.matmul %convert_element_type3A_128, %slice3A, %dot_general3A_131 {dimension_numbers = #tpu.dot_dimension_numbers<[1], [0], [0], [1], [0, 0, 1, 1], [], []>, transpose_lhs_hint = false} : vector<256x256xf32>, vector<256x8xf32>, vector<256x8xf32> -> vector<256x8xf32>
    %add3A_133 = vector.broadcast %dot_general3A_107 : vector<1x8xf32> to vector<256x8xf32>
    %add3A_134 = arith.addf %dot_general3A_132, %add3A_133 : vector<256x8xf32>
    %add3A_135 = vector.broadcast %broadcast_in_dim3A_130 : vector<1x8xf32> to vector<256x8xf32>
    %add3A_136 = arith.addf %add3A_134, %add3A_135 : vector<256x8xf32>
    %slice3A_137 = vector.extract_strided_slice %convert_element_type3A_84 {offsets = [0, 0], sizes = [256, 8], strides = [1, 1]} : vector<2048x8xf32> to vector<256x8xf32>
    %gt3A_138 = arith.constant 0.000000e+00 : f32
    %gt3A_139 = vector.broadcast %gt3A_138 : f32 to vector<256x8xf32>
    %gt3A_140 = arith.cmpf ogt, %slice3A_137, %gt3A_139 : vector<256x8xf32>
    %jit3A_141 = arith.constant 0.000000e+00 : f32
    %broadcast_in_dim3A_142 = vector.broadcast %jit3A_141 : f32 to vector<256x8xf32>
    %select_n3A_143 = arith.select %gt3A_140, %add3A_136, %broadcast_in_dim3A_142 : vector<256x8xi1>, vector<256x8xf32>
    %reduce_sum3A_144 = arith.constant dense<0.000000e+00> : vector<256xf32>
    %reduce_sum3A_145 = vector.multi_reduction <add>, %select_n3A_143, %reduce_sum3A_144 [1] : vector<256x8xf32> to vector<256xf32>
    %broadcast_in_dim3A_146 = vector.shape_cast %reduce_sum3A_145 : vector<256xf32> to vector<256x1xf32>
    %slice3A_147 = vector.extract_strided_slice %convert_element_type3A_88 {offsets = [0, 0], sizes = [256, 8], strides = [1, 1]} : vector<2048x8xf32> to vector<256x8xf32>
    %gt3A_148 = arith.constant 0.000000e+00 : f32
    %gt3A_149 = vector.broadcast %gt3A_148 : f32 to vector<256x8xf32>
    %gt3A_150 = arith.cmpf ogt, %slice3A_147, %gt3A_149 : vector<256x8xf32>
    %jit3A_151 = arith.constant 0.000000e+00 : f32
    %broadcast_in_dim3A_152 = vector.broadcast %jit3A_151 : f32 to vector<256x8xf32>
    %select_n3A_153 = arith.select %gt3A_150, %add3A_136, %broadcast_in_dim3A_152 : vector<256x8xi1>, vector<256x8xf32>
    %reduce_sum3A_154 = arith.constant dense<0.000000e+00> : vector<256xf32>
    %reduce_sum3A_155 = vector.multi_reduction <add>, %select_n3A_153, %reduce_sum3A_154 [1] : vector<256x8xf32> to vector<256xf32>
    %broadcast_in_dim3A_156 = vector.shape_cast %reduce_sum3A_155 : vector<256xf32> to vector<256x1xf32>
    %convert_element_type3A_157 = arith.fptosi %broadcast_in_dim3A_146 : vector<256x1xf32> to vector<256x1xi32>
    %swap3A_158 = arith.constant 0 : index
    %swap3A_159 = arith.constant 0 : index
    %swap3A_160 = vector.load %arg6[%swap3A_158, %swap3A_159] : memref<2048x1xi32, #tpu.memory_space<vmem>>, vector<256x1xi32>
    tpu.vector_store %arg6[%swap3A_158, %swap3A_159], %convert_element_type3A_157 {strides = array<i32>} : memref<2048x1xi32, #tpu.memory_space<vmem>>, vector<256x1xi32>,
    %convert_element_type3A_161 = arith.fptosi %broadcast_in_dim3A_156 : vector<256x1xf32> to vector<256x1xi32>
    %swap3A_162 = arith.constant 0 : index
    %swap3A_163 = arith.constant 0 : index
    %swap3A_164 = vector.load %arg7[%swap3A_162, %swap3A_163] : memref<2048x1xi32, #tpu.memory_space<vmem>>, vector<256x1xi32>
    tpu.vector_store %arg7[%swap3A_162, %swap3A_163], %convert_element_type3A_161 {strides = array<i32>} : memref<2048x1xi32, #tpu.memory_space<vmem>>, vector<256x1xi32>,
    %reduce_sum3A_165 = arith.constant dense<0.000000e+00> : vector<8xf32>
    %reduce_sum3A_166 = vector.multi_reduction <add>, %slice3A, %reduce_sum3A_165 [0] : vector<256x8xf32> to vector<8xf32>
    %broadcast_in_dim3A_167 = vector.shape_cast %reduce_sum3A_166 : vector<8xf32> to vector<1x8xf32>
    %add3A_168 = arith.addf %broadcast_in_dim3A_130, %broadcast_in_dim3A_167 : vector<1x8xf32>
    %slice3A_169 = vector.extract_strided_slice %add3A_89 {offsets = [256, 0], sizes = [256, 8], strides = [1, 1]} : vector<2048x8xf32> to vector<256x8xf32>
    %dot_general3A_170 = arith.constant dense<0.000000e+00> : vector<256x8xf32>
    %dot_general3A_171 = tpu.matmul %convert_element_type3A_128, %slice3A_169, %dot_general3A_170 {dimension_numbers = #tpu.dot_dimension_numbers<[1], [0], [0], [1], [0, 0, 1, 1], [], []>, transpose_lhs_hint = false} : vector<256x256xf32>, vector<256x8xf32>, vector<256x8xf32> -> vector<256x8xf32>
    %add3A_172 = vector.broadcast %dot_general3A_107 : vector<1x8xf32> to vector<256x8xf32>
    %add3A_173 = arith.addf %dot_general3A_171, %add3A_172 : vector<256x8xf32>
    %add3A_174 = vector.broadcast %add3A_168 : vector<1x8xf32> to vector<256x8xf32>
    %add3A_175 = arith.addf %add3A_173, %add3A_174 : vector<256x8xf32>
    %slice3A_176 = vector.extract_strided_slice %convert_element_type3A_84 {offsets = [256, 0], sizes = [256, 8], strides = [1, 1]} : vector<2048x8xf32> to vector<256x8xf32>
    %gt3A_177 = arith.constant 0.000000e+00 : f32
    %gt3A_178 = vector.broadcast %gt3A_177 : f32 to vector<256x8xf32>
    %gt3A_179 = arith.cmpf ogt, %slice3A_176, %gt3A_178 : vector<256x8xf32>
    %jit3A_180 = arith.constant 0.000000e+00 : f32
    %broadcast_in_dim3A_181 = vector.broadcast %jit3A_180 : f32 to vector<256x8xf32>
    %select_n3A_182 = arith.select %gt3A_179, %add3A_175, %broadcast_in_dim3A_181 : vector<256x8xi1>, vector<256x8xf32>
    %reduce_sum3A_183 = arith.constant dense<0.000000e+00> : vector<256xf32>
    %reduce_sum3A_184 = vector.multi_reduction <add>, %select_n3A_182, %reduce_sum3A_183 [1] : vector<256x8xf32> to vector<256xf32>
    %broadcast_in_dim3A_185 = vector.shape_cast %reduce_sum3A_184 : vector<256xf32> to vector<256x1xf32>
    %slice3A_186 = vector.extract_strided_slice %convert_element_type3A_88 {offsets = [256, 0], sizes = [256, 8], strides = [1, 1]} : vector<2048x8xf32> to vector<256x8xf32>
    %gt3A_187 = arith.constant 0.000000e+00 : f32
    %gt3A_188 = vector.broadcast %gt3A_187 : f32 to vector<256x8xf32>
    %gt3A_189 = arith.cmpf ogt, %slice3A_186, %gt3A_188 : vector<256x8xf32>
    %jit3A_190 = arith.constant 0.000000e+00 : f32
    %broadcast_in_dim3A_191 = vector.broadcast %jit3A_190 : f32 to vector<256x8xf32>
    %select_n3A_192 = arith.select %gt3A_189, %add3A_175, %broadcast_in_dim3A_191 : vector<256x8xi1>, vector<256x8xf32>
    %reduce_sum3A_193 = arith.constant dense<0.000000e+00> : vector<256xf32>
    %reduce_sum3A_194 = vector.multi_reduction <add>, %select_n3A_192, %reduce_sum3A_193 [1] : vector<256x8xf32> to vector<256xf32>
    %broadcast_in_dim3A_195 = vector.shape_cast %reduce_sum3A_194 : vector<256xf32> to vector<256x1xf32>
    %convert_element_type3A_196 = arith.fptosi %broadcast_in_dim3A_185 : vector<256x1xf32> to vector<256x1xi32>
    %swap3A_197 = arith.constant 256 : index
    %swap3A_198 = arith.constant 0 : index
    %swap3A_199 = vector.load %arg6[%swap3A_197, %swap3A_198] : memref<2048x1xi32, #tpu.memory_space<vmem>>, vector<256x1xi32>
    tpu.vector_store %arg6[%swap3A_197, %swap3A_198], %convert_element_type3A_196 {strides = array<i32>} : memref<2048x1xi32, #tpu.memory_space<vmem>>, vector<256x1xi32>,
    %convert_element_type3A_200 = arith.fptosi %broadcast_in_dim3A_195 : vector<256x1xf32> to vector<256x1xi32>
    %swap3A_201 = arith.constant 256 : index
    %swap3A_202 = arith.constant 0 : index
    %swap3A_203 = vector.load %arg7[%swap3A_201, %swap3A_202] : memref<2048x1xi32, #tpu.memory_space<vmem>>, vector<256x1xi32>
    tpu.vector_store %arg7[%swap3A_201, %swap3A_202], %convert_element_type3A_200 {strides = array<i32>} : memref<2048x1xi32, #tpu.memory_space<vmem>>, vector<256x1xi32>,
    %reduce_sum3A_204 = arith.constant dense<0.000000e+00> : vector<8xf32>
    %reduce_sum3A_205 = vector.multi_reduction <add>, %slice3A_169, %reduce_sum3A_204 [0] : vector<256x8xf32> to vector<8xf32>
    %broadcast_in_dim3A_206 = vector.shape_cast %reduce_sum3A_205 : vector<8xf32> to vector<1x8xf32>
    %add3A_207 = arith.addf %add3A_168, %broadcast_in_dim3A_206 : vector<1x8xf32>
    %slice3A_208 = vector.extract_strided_slice %add3A_89 {offsets = [512, 0], sizes = [256, 8], strides = [1, 1]} : vector<2048x8xf32> to vector<256x8xf32>
    %dot_general3A_209 = arith.constant dense<0.000000e+00> : vector<256x8xf32>
    %dot_general3A_210 = tpu.matmul %convert_element_type3A_128, %slice3A_208, %dot_general3A_209 {dimension_numbers = #tpu.dot_dimension_numbers<[1], [0], [0], [1], [0, 0, 1, 1], [], []>, transpose_lhs_hint = false} : vector<256x256xf32>, vector<256x8xf32>, vector<256x8xf32> -> vector<256x8xf32>
    %add3A_211 = vector.broadcast %dot_general3A_107 : vector<1x8xf32> to vector<256x8xf32>
    %add3A_212 = arith.addf %dot_general3A_210, %add3A_211 : vector<256x8xf32>
    %add3A_213 = vector.broadcast %add3A_207 : vector<1x8xf32> to vector<256x8xf32>
    %add3A_214 = arith.addf %add3A_212, %add3A_213 : vector<256x8xf32>
    %slice3A_215 = vector.extract_strided_slice %convert_element_type3A_84 {offsets = [512, 0], sizes = [256, 8], strides = [1, 1]} : vector<2048x8xf32> to vector<256x8xf32>
    %gt3A_216 = arith.constant 0.000000e+00 : f32
    %gt3A_217 = vector.broadcast %gt3A_216 : f32 to vector<256x8xf32>
    %gt3A_218 = arith.cmpf ogt, %slice3A_215, %gt3A_217 : vector<256x8xf32>
    %jit3A_219 = arith.constant 0.000000e+00 : f32
    %broadcast_in_dim3A_220 = vector.broadcast %jit3A_219 : f32 to vector<256x8xf32>
    %select_n3A_221 = arith.select %gt3A_218, %add3A_214, %broadcast_in_dim3A_220 : vector<256x8xi1>, vector<256x8xf32>
    %reduce_sum3A_222 = arith.constant dense<0.000000e+00> : vector<256xf32>
    %reduce_sum3A_223 = vector.multi_reduction <add>, %select_n3A_221, %reduce_sum3A_222 [1] : vector<256x8xf32> to vector<256xf32>
    %broadcast_in_dim3A_224 = vector.shape_cast %reduce_sum3A_223 : vector<256xf32> to vector<256x1xf32>
    %slice3A_225 = vector.extract_strided_slice %convert_element_type3A_88 {offsets = [512, 0], sizes = [256, 8], strides = [1, 1]} : vector<2048x8xf32> to vector<256x8xf32>
    %gt3A_226 = arith.constant 0.000000e+00 : f32
    %gt3A_227 = vector.broadcast %gt3A_226 : f32 to vector<256x8xf32>
    %gt3A_228 = arith.cmpf ogt, %slice3A_225, %gt3A_227 : vector<256x8xf32>
    %jit3A_229 = arith.constant 0.000000e+00 : f32
    %broadcast_in_dim3A_230 = vector.broadcast %jit3A_229 : f32 to vector<256x8xf32>
    %select_n3A_231 = arith.select %gt3A_228, %add3A_214, %broadcast_in_dim3A_230 : vector<256x8xi1>, vector<256x8xf32>
    %reduce_sum3A_232 = arith.constant dense<0.000000e+00> : vector<256xf32>
    %reduce_sum3A_233 = vector.multi_reduction <add>, %select_n3A_231, %reduce_sum3A_232 [1] : vector<256x8xf32> to vector<256xf32>
    %broadcast_in_dim3A_234 = vector.shape_cast %reduce_sum3A_233 : vector<256xf32> to vector<256x1xf32>
    %convert_element_type3A_235 = arith.fptosi %broadcast_in_dim3A_224 : vector<256x1xf32> to vector<256x1xi32>
    %swap3A_236 = arith.constant 512 : index
    %swap3A_237 = arith.constant 0 : index
    %swap3A_238 = vector.load %arg6[%swap3A_236, %swap3A_237] : memref<2048x1xi32, #tpu.memory_space<vmem>>, vector<256x1xi32>
    tpu.vector_store %arg6[%swap3A_236, %swap3A_237], %convert_element_type3A_235 {strides = array<i32>} : memref<2048x1xi32, #tpu.memory_space<vmem>>, vector<256x1xi32>,
    %convert_element_type3A_239 = arith.fptosi %broadcast_in_dim3A_234 : vector<256x1xf32> to vector<256x1xi32>
    %swap3A_240 = arith.constant 512 : index
    %swap3A_241 = arith.constant 0 : index
    %swap3A_242 = vector.load %arg7[%swap3A_240, %swap3A_241] : memref<2048x1xi32, #tpu.memory_space<vmem>>, vector<256x1xi32>
    tpu.vector_store %arg7[%swap3A_240, %swap3A_241], %convert_element_type3A_239 {strides = array<i32>} : memref<2048x1xi32, #tpu.memory_space<vmem>>, vector<256x1xi32>,
    %reduce_sum3A_243 = arith.constant dense<0.000000e+00> : vector<8xf32>
    %reduce_sum3A_244 = vector.multi_reduction <add>, %slice3A_208, %reduce_sum3A_243 [0] : vector<256x8xf32> to vector<8xf32>
    %broadcast_in_dim3A_245 = vector.shape_cast %reduce_sum3A_244 : vector<8xf32> to vector<1x8xf32>
    %add3A_246 = arith.addf %add3A_207, %broadcast_in_dim3A_245 : vector<1x8xf32>
    %slice3A_247 = vector.extract_strided_slice %add3A_89 {offsets = [768, 0], sizes = [256, 8], strides = [1, 1]} : vector<2048x8xf32> to vector<256x8xf32>
    %dot_general3A_248 = arith.constant dense<0.000000e+00> : vector<256x8xf32>
    %dot_general3A_249 = tpu.matmul %convert_element_type3A_128, %slice3A_247, %dot_general3A_248 {dimension_numbers = #tpu.dot_dimension_numbers<[1], [0], [0], [1], [0, 0, 1, 1], [], []>, transpose_lhs_hint = false} : vector<256x256xf32>, vector<256x8xf32>, vector<256x8xf32> -> vector<256x8xf32>
    %add3A_250 = vector.broadcast %dot_general3A_107 : vector<1x8xf32> to vector<256x8xf32>
    %add3A_251 = arith.addf %dot_general3A_249, %add3A_250 : vector<256x8xf32>
    %add3A_252 = vector.broadcast %add3A_246 : vector<1x8xf32> to vector<256x8xf32>
    %add3A_253 = arith.addf %add3A_251, %add3A_252 : vector<256x8xf32>
    %slice3A_254 = vector.extract_strided_slice %convert_element_type3A_84 {offsets = [768, 0], sizes = [256, 8], strides = [1, 1]} : vector<2048x8xf32> to vector<256x8xf32>
    %gt3A_255 = arith.constant 0.000000e+00 : f32
    %gt3A_256 = vector.broadcast %gt3A_255 : f32 to vector<256x8xf32>
    %gt3A_257 = arith.cmpf ogt, %slice3A_254, %gt3A_256 : vector<256x8xf32>
    %jit3A_258 = arith.constant 0.000000e+00 : f32
    %broadcast_in_dim3A_259 = vector.broadcast %jit3A_258 : f32 to vector<256x8xf32>
    %select_n3A_260 = arith.select %gt3A_257, %add3A_253, %broadcast_in_dim3A_259 : vector<256x8xi1>, vector<256x8xf32>
    %reduce_sum3A_261 = arith.constant dense<0.000000e+00> : vector<256xf32>
    %reduce_sum3A_262 = vector.multi_reduction <add>, %select_n3A_260, %reduce_sum3A_261 [1] : vector<256x8xf32> to vector<256xf32>
    %broadcast_in_dim3A_263 = vector.shape_cast %reduce_sum3A_262 : vector<256xf32> to vector<256x1xf32>
    %slice3A_264 = vector.extract_strided_slice %convert_element_type3A_88 {offsets = [768, 0], sizes = [256, 8], strides = [1, 1]} : vector<2048x8xf32> to vector<256x8xf32>
    %gt3A_265 = arith.constant 0.000000e+00 : f32
    %gt3A_266 = vector.broadcast %gt3A_265 : f32 to vector<256x8xf32>
    %gt3A_267 = arith.cmpf ogt, %slice3A_264, %gt3A_266 : vector<256x8xf32>
    %jit3A_268 = arith.constant 0.000000e+00 : f32
    %broadcast_in_dim3A_269 = vector.broadcast %jit3A_268 : f32 to vector<256x8xf32>
    %select_n3A_270 = arith.select %gt3A_267, %add3A_253, %broadcast_in_dim3A_269 : vector<256x8xi1>, vector<256x8xf32>
    %reduce_sum3A_271 = arith.constant dense<0.000000e+00> : vector<256xf32>
    %reduce_sum3A_272 = vector.multi_reduction <add>, %select_n3A_270, %reduce_sum3A_271 [1] : vector<256x8xf32> to vector<256xf32>
    %broadcast_in_dim3A_273 = vector.shape_cast %reduce_sum3A_272 : vector<256xf32> to vector<256x1xf32>
    %convert_element_type3A_274 = arith.fptosi %broadcast_in_dim3A_263 : vector<256x1xf32> to vector<256x1xi32>
    %swap3A_275 = arith.constant 768 : index
    %swap3A_276 = arith.constant 0 : index
    %swap3A_277 = vector.load %arg6[%swap3A_275, %swap3A_276] : memref<2048x1xi32, #tpu.memory_space<vmem>>, vector<256x1xi32>
    tpu.vector_store %arg6[%swap3A_275, %swap3A_276], %convert_element_type3A_274 {strides = array<i32>} : memref<2048x1xi32, #tpu.memory_space<vmem>>, vector<256x1xi32>,
    %convert_element_type3A_278 = arith.fptosi %broadcast_in_dim3A_273 : vector<256x1xf32> to vector<256x1xi32>
    %swap3A_279 = arith.constant 768 : index
    %swap3A_280 = arith.constant 0 : index
    %swap3A_281 = vector.load %arg7[%swap3A_279, %swap3A_280] : memref<2048x1xi32, #tpu.memory_space<vmem>>, vector<256x1xi32>
    tpu.vector_store %arg7[%swap3A_279, %swap3A_280], %convert_element_type3A_278 {strides = array<i32>} : memref<2048x1xi32, #tpu.memory_space<vmem>>, vector<256x1xi32>,
    %reduce_sum3A_282 = arith.constant dense<0.000000e+00> : vector<8xf32>
    %reduce_sum3A_283 = vector.multi_reduction <add>, %slice3A_247, %reduce_sum3A_282 [0] : vector<256x8xf32> to vector<8xf32>
    %broadcast_in_dim3A_284 = vector.shape_cast %reduce_sum3A_283 : vector<8xf32> to vector<1x8xf32>
    %add3A_285 = arith.addf %add3A_246, %broadcast_in_dim3A_284 : vector<1x8xf32>
    %slice3A_286 = vector.extract_strided_slice %add3A_89 {offsets = [1024, 0], sizes = [256, 8], strides = [1, 1]} : vector<2048x8xf32> to vector<256x8xf32>
    %dot_general3A_287 = arith.constant dense<0.000000e+00> : vector<256x8xf32>
    %dot_general3A_288 = tpu.matmul %convert_element_type3A_128, %slice3A_286, %dot_general3A_287 {dimension_numbers = #tpu.dot_dimension_numbers<[1], [0], [0], [1], [0, 0, 1, 1], [], []>, transpose_lhs_hint = false} : vector<256x256xf32>, vector<256x8xf32>, vector<256x8xf32> -> vector<256x8xf32>
    %add3A_289 = vector.broadcast %dot_general3A_107 : vector<1x8xf32> to vector<256x8xf32>
    %add3A_290 = arith.addf %dot_general3A_288, %add3A_289 : vector<256x8xf32>
    %add3A_291 = vector.broadcast %add3A_285 : vector<1x8xf32> to vector<256x8xf32>
    %add3A_292 = arith.addf %add3A_290, %add3A_291 : vector<256x8xf32>
    %slice3A_293 = vector.extract_strided_slice %convert_element_type3A_84 {offsets = [1024, 0], sizes = [256, 8], strides = [1, 1]} : vector<2048x8xf32> to vector<256x8xf32>
    %gt3A_294 = arith.constant 0.000000e+00 : f32
    %gt3A_295 = vector.broadcast %gt3A_294 : f32 to vector<256x8xf32>
    %gt3A_296 = arith.cmpf ogt, %slice3A_293, %gt3A_295 : vector<256x8xf32>
    %jit3A_297 = arith.constant 0.000000e+00 : f32
    %broadcast_in_dim3A_298 = vector.broadcast %jit3A_297 : f32 to vector<256x8xf32>
    %select_n3A_299 = arith.select %gt3A_296, %add3A_292, %broadcast_in_dim3A_298 : vector<256x8xi1>, vector<256x8xf32>
    %reduce_sum3A_300 = arith.constant dense<0.000000e+00> : vector<256xf32>
    %reduce_sum3A_301 = vector.multi_reduction <add>, %select_n3A_299, %reduce_sum3A_300 [1] : vector<256x8xf32> to vector<256xf32>
    %broadcast_in_dim3A_302 = vector.shape_cast %reduce_sum3A_301 : vector<256xf32> to vector<256x1xf32>
    %slice3A_303 = vector.extract_strided_slice %convert_element_type3A_88 {offsets = [1024, 0], sizes = [256, 8], strides = [1, 1]} : vector<2048x8xf32> to vector<256x8xf32>
    %gt3A_304 = arith.constant 0.000000e+00 : f32
    %gt3A_305 = vector.broadcast %gt3A_304 : f32 to vector<256x8xf32>
    %gt3A_306 = arith.cmpf ogt, %slice3A_303, %gt3A_305 : vector<256x8xf32>
    %jit3A_307 = arith.constant 0.000000e+00 : f32
    %broadcast_in_dim3A_308 = vector.broadcast %jit3A_307 : f32 to vector<256x8xf32>
    %select_n3A_309 = arith.select %gt3A_306, %add3A_292, %broadcast_in_dim3A_308 : vector<256x8xi1>, vector<256x8xf32>
    %reduce_sum3A_310 = arith.constant dense<0.000000e+00> : vector<256xf32>
    %reduce_sum3A_311 = vector.multi_reduction <add>, %select_n3A_309, %reduce_sum3A_310 [1] : vector<256x8xf32> to vector<256xf32>
    %broadcast_in_dim3A_312 = vector.shape_cast %reduce_sum3A_311 : vector<256xf32> to vector<256x1xf32>
    %convert_element_type3A_313 = arith.fptosi %broadcast_in_dim3A_302 : vector<256x1xf32> to vector<256x1xi32>
    %swap3A_314 = arith.constant 1024 : index
    %swap3A_315 = arith.constant 0 : index
    %swap3A_316 = vector.load %arg6[%swap3A_314, %swap3A_315] : memref<2048x1xi32, #tpu.memory_space<vmem>>, vector<256x1xi32>
    tpu.vector_store %arg6[%swap3A_314, %swap3A_315], %convert_element_type3A_313 {strides = array<i32>} : memref<2048x1xi32, #tpu.memory_space<vmem>>, vector<256x1xi32>,
    %convert_element_type3A_317 = arith.fptosi %broadcast_in_dim3A_312 : vector<256x1xf32> to vector<256x1xi32>
    %swap3A_318 = arith.constant 1024 : index
    %swap3A_319 = arith.constant 0 : index
    %swap3A_320 = vector.load %arg7[%swap3A_318, %swap3A_319] : memref<2048x1xi32, #tpu.memory_space<vmem>>, vector<256x1xi32>
    tpu.vector_store %arg7[%swap3A_318, %swap3A_319], %convert_element_type3A_317 {strides = array<i32>} : memref<2048x1xi32, #tpu.memory_space<vmem>>, vector<256x1xi32>,
    %reduce_sum3A_321 = arith.constant dense<0.000000e+00> : vector<8xf32>
    %reduce_sum3A_322 = vector.multi_reduction <add>, %slice3A_286, %reduce_sum3A_321 [0] : vector<256x8xf32> to vector<8xf32>
    %broadcast_in_dim3A_323 = vector.shape_cast %reduce_sum3A_322 : vector<8xf32> to vector<1x8xf32>
    %add3A_324 = arith.addf %add3A_285, %broadcast_in_dim3A_323 : vector<1x8xf32>
    %slice3A_325 = vector.extract_strided_slice %add3A_89 {offsets = [1280, 0], sizes = [256, 8], strides = [1, 1]} : vector<2048x8xf32> to vector<256x8xf32>
    %dot_general3A_326 = arith.constant dense<0.000000e+00> : vector<256x8xf32>
    %dot_general3A_327 = tpu.matmul %convert_element_type3A_128, %slice3A_325, %dot_general3A_326 {dimension_numbers = #tpu.dot_dimension_numbers<[1], [0], [0], [1], [0, 0, 1, 1], [], []>, transpose_lhs_hint = false} : vector<256x256xf32>, vector<256x8xf32>, vector<256x8xf32> -> vector<256x8xf32>
    %add3A_328 = vector.broadcast %dot_general3A_107 : vector<1x8xf32> to vector<256x8xf32>
    %add3A_329 = arith.addf %dot_general3A_327, %add3A_328 : vector<256x8xf32>
    %add3A_330 = vector.broadcast %add3A_324 : vector<1x8xf32> to vector<256x8xf32>
    %add3A_331 = arith.addf %add3A_329, %add3A_330 : vector<256x8xf32>
    %slice3A_332 = vector.extract_strided_slice %convert_element_type3A_84 {offsets = [1280, 0], sizes = [256, 8], strides = [1, 1]} : vector<2048x8xf32> to vector<256x8xf32>
    %gt3A_333 = arith.constant 0.000000e+00 : f32
    %gt3A_334 = vector.broadcast %gt3A_333 : f32 to vector<256x8xf32>
    %gt3A_335 = arith.cmpf ogt, %slice3A_332, %gt3A_334 : vector<256x8xf32>
    %jit3A_336 = arith.constant 0.000000e+00 : f32
    %broadcast_in_dim3A_337 = vector.broadcast %jit3A_336 : f32 to vector<256x8xf32>
    %select_n3A_338 = arith.select %gt3A_335, %add3A_331, %broadcast_in_dim3A_337 : vector<256x8xi1>, vector<256x8xf32>
    %reduce_sum3A_339 = arith.constant dense<0.000000e+00> : vector<256xf32>
    %reduce_sum3A_340 = vector.multi_reduction <add>, %select_n3A_338, %reduce_sum3A_339 [1] : vector<256x8xf32> to vector<256xf32>
    %broadcast_in_dim3A_341 = vector.shape_cast %reduce_sum3A_340 : vector<256xf32> to vector<256x1xf32>
    %slice3A_342 = vector.extract_strided_slice %convert_element_type3A_88 {offsets = [1280, 0], sizes = [256, 8], strides = [1, 1]} : vector<2048x8xf32> to vector<256x8xf32>
    %gt3A_343 = arith.constant 0.000000e+00 : f32
    %gt3A_344 = vector.broadcast %gt3A_343 : f32 to vector<256x8xf32>
    %gt3A_345 = arith.cmpf ogt, %slice3A_342, %gt3A_344 : vector<256x8xf32>
    %jit3A_346 = arith.constant 0.000000e+00 : f32
    %broadcast_in_dim3A_347 = vector.broadcast %jit3A_346 : f32 to vector<256x8xf32>
    %select_n3A_348 = arith.select %gt3A_345, %add3A_331, %broadcast_in_dim3A_347 : vector<256x8xi1>, vector<256x8xf32>
    %reduce_sum3A_349 = arith.constant dense<0.000000e+00> : vector<256xf32>
    %reduce_sum3A_350 = vector.multi_reduction <add>, %select_n3A_348, %reduce_sum3A_349 [1] : vector<256x8xf32> to vector<256xf32>
    %broadcast_in_dim3A_351 = vector.shape_cast %reduce_sum3A_350 : vector<256xf32> to vector<256x1xf32>
    %convert_element_type3A_352 = arith.fptosi %broadcast_in_dim3A_341 : vector<256x1xf32> to vector<256x1xi32>
    %swap3A_353 = arith.constant 1280 : index
    %swap3A_354 = arith.constant 0 : index
    %swap3A_355 = vector.load %arg6[%swap3A_353, %swap3A_354] : memref<2048x1xi32, #tpu.memory_space<vmem>>, vector<256x1xi32>
    tpu.vector_store %arg6[%swap3A_353, %swap3A_354], %convert_element_type3A_352 {strides = array<i32>} : memref<2048x1xi32, #tpu.memory_space<vmem>>, vector<256x1xi32>,
    %convert_element_type3A_356 = arith.fptosi %broadcast_in_dim3A_351 : vector<256x1xf32> to vector<256x1xi32>
    %swap3A_357 = arith.constant 1280 : index
    %swap3A_358 = arith.constant 0 : index
    %swap3A_359 = vector.load %arg7[%swap3A_357, %swap3A_358] : memref<2048x1xi32, #tpu.memory_space<vmem>>, vector<256x1xi32>
    tpu.vector_store %arg7[%swap3A_357, %swap3A_358], %convert_element_type3A_356 {strides = array<i32>} : memref<2048x1xi32, #tpu.memory_space<vmem>>, vector<256x1xi32>,
    %reduce_sum3A_360 = arith.constant dense<0.000000e+00> : vector<8xf32>
    %reduce_sum3A_361 = vector.multi_reduction <add>, %slice3A_325, %reduce_sum3A_360 [0] : vector<256x8xf32> to vector<8xf32>
    %broadcast_in_dim3A_362 = vector.shape_cast %reduce_sum3A_361 : vector<8xf32> to vector<1x8xf32>
    %add3A_363 = arith.addf %add3A_324, %broadcast_in_dim3A_362 : vector<1x8xf32>
    %slice3A_364 = vector.extract_strided_slice %add3A_89 {offsets = [1536, 0], sizes = [256, 8], strides = [1, 1]} : vector<2048x8xf32> to vector<256x8xf32>
    %dot_general3A_365 = arith.constant dense<0.000000e+00> : vector<256x8xf32>
    %dot_general3A_366 = tpu.matmul %convert_element_type3A_128, %slice3A_364, %dot_general3A_365 {dimension_numbers = #tpu.dot_dimension_numbers<[1], [0], [0], [1], [0, 0, 1, 1], [], []>, transpose_lhs_hint = false} : vector<256x256xf32>, vector<256x8xf32>, vector<256x8xf32> -> vector<256x8xf32>
    %add3A_367 = vector.broadcast %dot_general3A_107 : vector<1x8xf32> to vector<256x8xf32>
    %add3A_368 = arith.addf %dot_general3A_366, %add3A_367 : vector<256x8xf32>
    %add3A_369 = vector.broadcast %add3A_363 : vector<1x8xf32> to vector<256x8xf32>
    %add3A_370 = arith.addf %add3A_368, %add3A_369 : vector<256x8xf32>
    %slice3A_371 = vector.extract_strided_slice %convert_element_type3A_84 {offsets = [1536, 0], sizes = [256, 8], strides = [1, 1]} : vector<2048x8xf32> to vector<256x8xf32>
    %gt3A_372 = arith.constant 0.000000e+00 : f32
    %gt3A_373 = vector.broadcast %gt3A_372 : f32 to vector<256x8xf32>
    %gt3A_374 = arith.cmpf ogt, %slice3A_371, %gt3A_373 : vector<256x8xf32>
    %jit3A_375 = arith.constant 0.000000e+00 : f32
    %broadcast_in_dim3A_376 = vector.broadcast %jit3A_375 : f32 to vector<256x8xf32>
    %select_n3A_377 = arith.select %gt3A_374, %add3A_370, %broadcast_in_dim3A_376 : vector<256x8xi1>, vector<256x8xf32>
    %reduce_sum3A_378 = arith.constant dense<0.000000e+00> : vector<256xf32>
    %reduce_sum3A_379 = vector.multi_reduction <add>, %select_n3A_377, %reduce_sum3A_378 [1] : vector<256x8xf32> to vector<256xf32>
    %broadcast_in_dim3A_380 = vector.shape_cast %reduce_sum3A_379 : vector<256xf32> to vector<256x1xf32>
    %slice3A_381 = vector.extract_strided_slice %convert_element_type3A_88 {offsets = [1536, 0], sizes = [256, 8], strides = [1, 1]} : vector<2048x8xf32> to vector<256x8xf32>
    %gt3A_382 = arith.constant 0.000000e+00 : f32
    %gt3A_383 = vector.broadcast %gt3A_382 : f32 to vector<256x8xf32>
    %gt3A_384 = arith.cmpf ogt, %slice3A_381, %gt3A_383 : vector<256x8xf32>
    %jit3A_385 = arith.constant 0.000000e+00 : f32
    %broadcast_in_dim3A_386 = vector.broadcast %jit3A_385 : f32 to vector<256x8xf32>
    %select_n3A_387 = arith.select %gt3A_384, %add3A_370, %broadcast_in_dim3A_386 : vector<256x8xi1>, vector<256x8xf32>
    %reduce_sum3A_388 = arith.constant dense<0.000000e+00> : vector<256xf32>
    %reduce_sum3A_389 = vector.multi_reduction <add>, %select_n3A_387, %reduce_sum3A_388 [1] : vector<256x8xf32> to vector<256xf32>
    %broadcast_in_dim3A_390 = vector.shape_cast %reduce_sum3A_389 : vector<256xf32> to vector<256x1xf32>
    %convert_element_type3A_391 = arith.fptosi %broadcast_in_dim3A_380 : vector<256x1xf32> to vector<256x1xi32>
    %swap3A_392 = arith.constant 1536 : index
    %swap3A_393 = arith.constant 0 : index
    %swap3A_394 = vector.load %arg6[%swap3A_392, %swap3A_393] : memref<2048x1xi32, #tpu.memory_space<vmem>>, vector<256x1xi32>
    tpu.vector_store %arg6[%swap3A_392, %swap3A_393], %convert_element_type3A_391 {strides = array<i32>} : memref<2048x1xi32, #tpu.memory_space<vmem>>, vector<256x1xi32>,
    %convert_element_type3A_395 = arith.fptosi %broadcast_in_dim3A_390 : vector<256x1xf32> to vector<256x1xi32>
    %swap3A_396 = arith.constant 1536 : index
    %swap3A_397 = arith.constant 0 : index
    %swap3A_398 = vector.load %arg7[%swap3A_396, %swap3A_397] : memref<2048x1xi32, #tpu.memory_space<vmem>>, vector<256x1xi32>
    tpu.vector_store %arg7[%swap3A_396, %swap3A_397], %convert_element_type3A_395 {strides = array<i32>} : memref<2048x1xi32, #tpu.memory_space<vmem>>, vector<256x1xi32>,
    %reduce_sum3A_399 = arith.constant dense<0.000000e+00> : vector<8xf32>
    %reduce_sum3A_400 = vector.multi_reduction <add>, %slice3A_364, %reduce_sum3A_399 [0] : vector<256x8xf32> to vector<8xf32>
    %broadcast_in_dim3A_401 = vector.shape_cast %reduce_sum3A_400 : vector<8xf32> to vector<1x8xf32>
    %add3A_402 = arith.addf %add3A_363, %broadcast_in_dim3A_401 : vector<1x8xf32>
    %slice3A_403 = vector.extract_strided_slice %add3A_89 {offsets = [1792, 0], sizes = [256, 8], strides = [1, 1]} : vector<2048x8xf32> to vector<256x8xf32>
    %dot_general3A_404 = arith.constant dense<0.000000e+00> : vector<256x8xf32>
    %dot_general3A_405 = tpu.matmul %convert_element_type3A_128, %slice3A_403, %dot_general3A_404 {dimension_numbers = #tpu.dot_dimension_numbers<[1], [0], [0], [1], [0, 0, 1, 1], [], []>, transpose_lhs_hint = false} : vector<256x256xf32>, vector<256x8xf32>, vector<256x8xf32> -> vector<256x8xf32>
    %add3A_406 = vector.broadcast %dot_general3A_107 : vector<1x8xf32> to vector<256x8xf32>
    %add3A_407 = arith.addf %dot_general3A_405, %add3A_406 : vector<256x8xf32>
    %add3A_408 = vector.broadcast %add3A_402 : vector<1x8xf32> to vector<256x8xf32>
    %add3A_409 = arith.addf %add3A_407, %add3A_408 : vector<256x8xf32>
    %slice3A_410 = vector.extract_strided_slice %convert_element_type3A_84 {offsets = [1792, 0], sizes = [256, 8], strides = [1, 1]} : vector<2048x8xf32> to vector<256x8xf32>
    %gt3A_411 = arith.constant 0.000000e+00 : f32
    %gt3A_412 = vector.broadcast %gt3A_411 : f32 to vector<256x8xf32>
    %gt3A_413 = arith.cmpf ogt, %slice3A_410, %gt3A_412 : vector<256x8xf32>
    %jit3A_414 = arith.constant 0.000000e+00 : f32
    %broadcast_in_dim3A_415 = vector.broadcast %jit3A_414 : f32 to vector<256x8xf32>
    %select_n3A_416 = arith.select %gt3A_413, %add3A_409, %broadcast_in_dim3A_415 : vector<256x8xi1>, vector<256x8xf32>
    %reduce_sum3A_417 = arith.constant dense<0.000000e+00> : vector<256xf32>
    %reduce_sum3A_418 = vector.multi_reduction <add>, %select_n3A_416, %reduce_sum3A_417 [1] : vector<256x8xf32> to vector<256xf32>
    %broadcast_in_dim3A_419 = vector.shape_cast %reduce_sum3A_418 : vector<256xf32> to vector<256x1xf32>
    %slice3A_420 = vector.extract_strided_slice %convert_element_type3A_88 {offsets = [1792, 0], sizes = [256, 8], strides = [1, 1]} : vector<2048x8xf32> to vector<256x8xf32>
    %gt3A_421 = arith.constant 0.000000e+00 : f32
    %gt3A_422 = vector.broadcast %gt3A_421 : f32 to vector<256x8xf32>
    %gt3A_423 = arith.cmpf ogt, %slice3A_420, %gt3A_422 : vector<256x8xf32>
    %jit3A_424 = arith.constant 0.000000e+00 : f32
    %broadcast_in_dim3A_425 = vector.broadcast %jit3A_424 : f32 to vector<256x8xf32>
    %select_n3A_426 = arith.select %gt3A_423, %add3A_409, %broadcast_in_dim3A_425 : vector<256x8xi1>, vector<256x8xf32>
    %reduce_sum3A_427 = arith.constant dense<0.000000e+00> : vector<256xf32>
    %reduce_sum3A_428 = vector.multi_reduction <add>, %select_n3A_426, %reduce_sum3A_427 [1] : vector<256x8xf32> to vector<256xf32>
    %broadcast_in_dim3A_429 = vector.shape_cast %reduce_sum3A_428 : vector<256xf32> to vector<256x1xf32>
    %convert_element_type3A_430 = arith.fptosi %broadcast_in_dim3A_419 : vector<256x1xf32> to vector<256x1xi32>
    %swap3A_431 = arith.constant 1792 : index
    %swap3A_432 = arith.constant 0 : index
    %swap3A_433 = vector.load %arg6[%swap3A_431, %swap3A_432] : memref<2048x1xi32, #tpu.memory_space<vmem>>, vector<256x1xi32>
    tpu.vector_store %arg6[%swap3A_431, %swap3A_432], %convert_element_type3A_430 {strides = array<i32>} : memref<2048x1xi32, #tpu.memory_space<vmem>>, vector<256x1xi32>,
    %convert_element_type3A_434 = arith.fptosi %broadcast_in_dim3A_429 : vector<256x1xf32> to vector<256x1xi32>
    %swap3A_435 = arith.constant 1792 : index
    %swap3A_436 = arith.constant 0 : index
    %swap3A_437 = vector.load %arg7[%swap3A_435, %swap3A_436] : memref<2048x1xi32, #tpu.memory_space<vmem>>, vector<256x1xi32>
    tpu.vector_store %arg7[%swap3A_435, %swap3A_436], %convert_element_type3A_434 {strides = array<i32>} : memref<2048x1xi32, #tpu.memory_space<vmem>>, vector<256x1xi32>,
    return
  }
  func.func @transform_0(%arg0: i32) -> (i32, i32) {
    %c0_i32 = arith.constant 0 : i32
    %c0_i32_0 = arith.constant 0 : i32
    %c0_i32_1 = arith.constant 0 : i32
    return %c0_i32, %c0_i32_0 : i32, i32
  }
  func.func @transform_1(%arg0: i32) -> (i32, i32) {
    %c0_i32 = arith.constant 0 : i32
    %c0_i32_0 = arith.constant 0 : i32
    %c0_i32_1 = arith.constant 0 : i32
    return %c0_i32, %c0_i32_0 : i32, i32
  }
  func.func @transform_2(%arg0: i32) -> (i32, i32) {
    %c0_i32 = arith.constant 0 : i32
    %c0_i32_0 = arith.constant 0 : i32
    %c0_i32_1 = arith.constant 0 : i32
    return %c0_i32, %c0_i32_0 : i32, i32
  }
  func.func @transform_3(%arg0: i32) -> (i32, i32) {
    %c0_i32 = arith.constant 0 : i32
    %c0_i32_0 = arith.constant 0 : i32
    %c0_i32_1 = arith.constant 0 : i32
    return %c0_i32, %c0_i32_0 : i32, i32
  }
  func.func @transform_4(%arg0: i32) -> (i32, i32) {
    %c0_i32 = arith.constant 0 : i32
    %c0_i32_0 = arith.constant 0 : i32
    %c0_i32_1 = arith.constant 0 : i32
    return %c0_i32, %c0_i32_0 : i32, i32
  }
  func.func @transform_5(%arg0: i32) -> (i32, i32) {
    %c0_i32 = arith.constant 0 : i32
    %c0_i32_0 = arith.constant 0 : i32
    %c0_i32_1 = arith.constant 0 : i32
    return %c0_i32, %c0_i32_0 : i32, i32
  }
  func.func @transform_6(%arg0: i32) -> (i32, i32) {
    %c0_i32 = arith.constant 0 : i32
    %c0_i32_0 = arith.constant 0 : i32
    %c0_i32_1 = arith.constant 0 : i32
    return %c0_i32, %c0_i32_0 : i32, i32
  }
  func.func @transform_7(%arg0: i32) -> (i32, i32) {
    %c0_i32 = arith.constant 0 : i32
    %c0_i32_0 = arith.constant 0 : i32
    %c0_i32_1 = arith.constant 0 : i32
    return %c0_i32, %c0_i32_0 : i32, i32
  }
}

module attributes {stable_mosaic.version = 14 : i64} {
  func.func @_k5_body(%arg0: i32, %arg1: memref<256x768xf32, #tpu.memory_space<vmem>>, %arg2: memref<256x768xf32, #tpu.memory_space<vmem>>, %arg3: memref<256x768xf32, #tpu.memory_space<vmem>>, %arg4: memref<256x2xf32, #tpu.memory_space<vmem>>, %arg5: memref<256x768xf32, #tpu.memory_space<vmem>>) attributes {dimension_semantics = [#tpu.dimension_semantics<arbitrary>], iteration_bounds = array<i64: 8>, scalar_prefetch = 0 : i64, scratch_operands = 0 : i64, tpu.core_type = #tpu.core_type<tc>, window_params = [{transform_indices = @transform_0, window_bounds = array<i64: 256, 768>}, {transform_indices = @transform_1, window_bounds = array<i64: 256, 768>}, {transform_indices = @transform_2, window_bounds = array<i64: 256, 768>}, {transform_indices = @transform_3, window_bounds = array<i64: 256, 2>}, {transform_indices = @transform_4, window_bounds = array<i64: 256, 768>}]} {
    %get3A = arith.constant 0 : index
    %get3A_0 = arith.constant 0 : index
    %get3A_1 = vector.load %arg4[%get3A, %get3A_0] : memref<256x2xf32, #tpu.memory_space<vmem>>, vector<256x2xf32>
    %get3A_2 = arith.constant 0 : index
    %get3A_3 = arith.constant 0 : index
    %get3A_4 = vector.load %arg1[%get3A_2, %get3A_3] : memref<256x768xf32, #tpu.memory_space<vmem>>, vector<256x768xf32>
    %slice3A = vector.extract_strided_slice %get3A_1 {offsets = [0, 0], sizes = [256, 1], strides = [1, 1]} : vector<256x2xf32> to vector<256x1xf32>
    %get3A_5 = arith.constant 0 : index
    %get3A_6 = arith.constant 0 : index
    %get3A_7 = vector.load %arg2[%get3A_5, %get3A_6] : memref<256x768xf32, #tpu.memory_space<vmem>>, vector<256x768xf32>
    %mul3A = vector.broadcast %slice3A : vector<256x1xf32> to vector<256x768xf32>
    %mul3A_8 = arith.mulf %mul3A, %get3A_7 : vector<256x768xf32>
    %add3A = arith.addf %get3A_4, %mul3A_8 : vector<256x768xf32>
    %slice3A_9 = vector.extract_strided_slice %get3A_1 {offsets = [0, 1], sizes = [256, 1], strides = [1, 1]} : vector<256x2xf32> to vector<256x1xf32>
    %get3A_10 = arith.constant 0 : index
    %get3A_11 = arith.constant 0 : index
    %get3A_12 = vector.load %arg3[%get3A_10, %get3A_11] : memref<256x768xf32, #tpu.memory_space<vmem>>, vector<256x768xf32>
    %mul3A_13 = vector.broadcast %slice3A_9 : vector<256x1xf32> to vector<256x768xf32>
    %mul3A_14 = arith.mulf %mul3A_13, %get3A_12 : vector<256x768xf32>
    %add3A_15 = arith.addf %add3A, %mul3A_14 : vector<256x768xf32>
    %mul3A_16 = arith.constant 0.333333343 : f32
    %mul3A_17 = vector.broadcast %mul3A_16 : f32 to vector<256x768xf32>
    %mul3A_18 = arith.mulf %add3A_15, %mul3A_17 : vector<256x768xf32>
    %swap3A = arith.constant 0 : index
    %swap3A_19 = arith.constant 0 : index
    %swap3A_20 = vector.load %arg5[%swap3A, %swap3A_19] : memref<256x768xf32, #tpu.memory_space<vmem>>, vector<256x768xf32>
    tpu.vector_store %arg5[%swap3A, %swap3A_19], %mul3A_18 {strides = array<i32>} : memref<256x768xf32, #tpu.memory_space<vmem>>, vector<256x768xf32>,
    return
  }
  func.func @transform_0(%arg0: i32) -> (i32, i32) {
    %c0_i32 = arith.constant 0 : i32
    %c0_i32_0 = arith.constant 0 : i32
    return %arg0, %c0_i32 : i32, i32
  }
  func.func @transform_1(%arg0: i32) -> (i32, i32) {
    %c0_i32 = arith.constant 0 : i32
    %c0_i32_0 = arith.constant 0 : i32
    return %arg0, %c0_i32 : i32, i32
  }
  func.func @transform_2(%arg0: i32) -> (i32, i32) {
    %c0_i32 = arith.constant 0 : i32
    %c0_i32_0 = arith.constant 0 : i32
    return %arg0, %c0_i32 : i32, i32
  }
  func.func @transform_3(%arg0: i32) -> (i32, i32) {
    %c0_i32 = arith.constant 0 : i32
    %c0_i32_0 = arith.constant 0 : i32
    return %arg0, %c0_i32 : i32, i32
  }
  func.func @transform_4(%arg0: i32) -> (i32, i32) {
    %c0_i32 = arith.constant 0 : i32
    %c0_i32_0 = arith.constant 0 : i32
    return %arg0, %c0_i32 : i32, i32
  }
}

</mosaic_0001>

<sc_bundles>
// kernel: kernel.11.cloned.1.call-start
scs
__scs_entry_jumppad:
0x0: {  	(pc) =	sbr.rel $0x88, $3  }
0x1: {  	(tag) =	ssettag $0x0;
	lr =	simm.s32 $0x1  }
0x2: {  	[smem:$0x3F98] =	sst lr;
	_ =	strace $0xD0000000  }
0x3: {  	_ = 	snop  }
0x4: {  	_ = 	snop  }
0x5: {  	_ = 	snop  }
0x6: {  	_ = 	snop  }
0x7: {  	_ = 	snop  }
__scs_overlays_trampoline_lowered:
0x8: {  	[smem:$0x3FA7] =	sst s0  }
0x9: {  	[smem:$0x3FA8] =	sst s1  }
0xa: {  	[smem:$0x3FA9] =	sst s2  }
0xb: {  	[smem:$0x3FAA] =	sst s3  }
0xc: {  	[smem:$0x3FAB] =	sst s4  }
0xd: {  	[smem:$0x3FAC] =	sst s5  }
0xe: {  	[smem:$0x3FAD] =	sst s6  }
0xf: {  	[smem:$0x3FAE] =	sst s7  }
0x10: {  	[smem:$0x3FAF] =	sst s8  }
0x11: {  	[smem:$0x3FB0] =	sst s9;
	s0 =	simm.s32 @!p0 $0x0  }
0x12: {  	s1 =	sld [smem:$0x3F96];
	s0 =	simm.s32 @p0 $0x1  }
0x13: {  	[smem:$0x3FB1] =	sst s0;
	s0 =	simm.s32 @!p1 $0x0  }
0x14: {  	s2 =	sld [smem:$0x3F95];
	s0 =	simm.s32 @p1 $0x1  }
0x15: {  	[smem:$0x3FB2] =	sst s0;
	s0 =	simm.s32 @!p2 $0x0  }
0x16: {  	s3 =	sld [smem:$0x3FDB];
	s0 =	simm.s32 @p2 $0x1  }
0x17: {  	s4 =	simm.s32 $0x1BF5;
	[smem:$0x3FB4] =	sst s0  }
0x18: {  	s0 =	sld [smem:$0x3F97];
	_ =	swait.ge [sflag:s4], $0x0  }
0x19: {  	s7 =	sld [smem:$0x3F98]  }
0x1a: {  	s8 =	sadd.s32 $0xFFFFE003, lr  }
0x1b: {  	s9 =	sadd.s32 $0xFFFFFEF7, lr;
	s5 =	simm.s32 $0xFFFFFFFF;
	p2 =	slt.u32 s8, $0xFFFFF086  }
0x1c: {  	p1 =	slt.u32 s9, $0xF7A;
	s5 =	simm.s32 @!p2 $0x0  }
0x1d: {  	s5 =	simm.s32 @p1 $0x1;
	p0 =	seq.s32 s7, s2  }
0x1e: {  	s7 =	smul.u32 @!p0 $0xF7A, s2;
	p2 =	seq.s32 @!p0 s5, $0x0  }
0x1f: {  	s9 =	smul.u32 $0xF7A, s1;
	s8 =	simm.s32 @!p0 $0x1BF5;
	p2 =	por !p2, p0  }
0x20: {  	[sflag:s8] =	ssyncset.s32 @!p0 $0xFFFFF086;
	s6 =	sadd.s32 @!p0 s3, s7;
	s7 =	simm.s32 @!p0 $0x108  }
0x21: {  	s3 =	sadd.s32 s3, s9;
	s6 =	sadd.s32 @!p0 $0x88, s6;
	s7 =	simm.s32 @p2 $0x1082  }
0x22: {  	[simem:s7], [sflag:s8] =	dma.local @!p0 [hbm:s6], $0xF7A  }
0x23: {  	s9 =	sor.u32 $0xD0000000, s2;
	s6 =	simm.s32 $0x108;
	_ =	swait.ge @!p0 [sflag:s8], $0x0  }
0x24: {  	s3 =	sadd.s32 $0x88, s3;
	s6 =	simm.s32 @!p1 $0x1082;
	[sflag:s4] =	ssyncset.s32 $0xFFFFF086  }
0x25: {  	[simem:s6], [sflag:s4] =	dma.local [hbm:s3], $0xF7A  }
0x26: {  	[smem:$0x3F98] =	sst s1;
	(tag) =	ssettag s2;
	_ =	strace s9  }
0x27: {  	s1 =	sld [smem:$0x3FA8]  }
0x28: {  	s2 =	sld [smem:$0x3FA9]  }
0x29: {  	s4 =	sld [smem:$0x3FAB]  }
0x2a: {  	p0 =	seq.s32 s5, $0x0;
	s5 =	sld [smem:$0x3FAC]  }
0x2b: {  	s6 =	sld [smem:$0x3FAD]  }
0x2c: {  	s7 =	sld [smem:$0x3FAE]  }
0x2d: {  	s3 =	simm.s32 $0x108;
	s8 =	sld [smem:$0x3FAF]  }
0x2e: {  	s3 =	simm.s32 @!p0 $0x1082;
	s9 =	sld [smem:$0x3FB0]  }
0x2f: {  	lr =	sadd.s32 s0, s3;
	s0 =	sld [smem:$0x3FA7]  }
0x30: {  	s3 =	sld [smem:$0x3FAA]  }
0x31: {  	[smem:$0x3FB3] =	sst s10  }
0x32: {  	s10 =	sld [smem:$0x3FB1];
	_ =	sdelay $0x3  }
0x33: {  	p0 =	seq.s32 s10, $0x1;
	s10 =	sld [smem:$0x3FB3];
	_ =	sdelay $0x3  }
0x34: {  	[smem:$0x3FB3] =	sst s10  }
0x35: {  	s10 =	sld [smem:$0x3FB2];
	_ =	sdelay $0x3  }
0x36: {  	p1 =	seq.s32 s10, $0x1;
	s10 =	sld [smem:$0x3FB3];
	_ =	sdelay $0x3  }
0x37: {  	[smem:$0x3FB3] =	sst s10  }
0x38: {  	s10 =	sld [smem:$0x3FB4]  }
0x39: {  	_ = 	snop;
	(pc) =	sbr.ind lr, $3  }
0x3a: {  	_ = 	snop  }
0x3b: {  	_ = 	snop  }
0x3c: {  	p2 =	seq.s32 s10, $0x1;
	s10 =	sld [smem:$0x3FB3]  }
0x3d: {  	_ =	shalt  }
0x3e: {  	_ =	shalt  }
0x3f: {  	_ =	shalt  }
0x40: {  	_ =	shalt  }
0x41: {  	_ =	shalt  }
0x42: {  	_ =	shalt  }
0x43: {  	_ =	shalt  }
0x44: {  	_ =	shalt  }
0x45: {  	_ =	shalt  }
0x46: {  	_ =	shalt  }
0x47: {  	_ =	shalt  }
0x48: {  	_ =	shalt  }
0x49: {  	_ =	shalt  }
0x4a: {  	_ =	shalt  }
0x4b: {  	_ =	shalt  }
0x4c: {  	_ =	shalt  }
0x4d: {  	_ =	shalt  }
0x4e: {  	_ =	shalt  }
0x4f: {  	_ =	shalt  }
0x50: {  	_ =	shalt  }
0x51: {  	_ =	shalt  }
0x52: {  	_ =	shalt  }
0x53: {  	_ =	shalt  }
0x54: {  	_ =	shalt  }
0x55: {  	_ =	shalt  }
0x56: {  	_ =	shalt  }
0x57: {  	_ =	shalt  }
0x58: {  	_ =	shalt  }
0x59: {  	_ =	shalt  }
0x5a: {  	_ =	shalt  }
0x5b: {  	_ =	shalt  }
0x5c: {  	_ =	shalt  }
0x5d: {  	_ =	shalt  }
0x5e: {  	_ =	shalt  }
0x5f: {  	_ =	shalt  }
0x60: {  	_ =	shalt  }
0x61: {  	_ =	shalt  }
0x62: {  	_ =	shalt  }
0x63: {  	_ =	shalt  }
0x64: {  	_ =	shalt  }
0x65: {  	_ =	shalt  }
0x66: {  	_ =	shalt  }
0x67: {  	_ =	shalt  }
0x68: {  	_ =	shalt  }
0x69: {  	_ =	shalt  }
0x6a: {  	_ =	shalt  }
0x6b: {  	_ =	shalt  }
0x6c: {  	_ =	shalt  }
0x6d: {  	_ =	shalt  }
0x6e: {  	_ =	shalt  }
0x6f: {  	_ =	shalt  }
0x70: {  	_ =	shalt  }
0x71: {  	_ =	shalt  }
0x72: {  	_ =	shalt  }
0x73: {  	_ =	shalt  }
0x74: {  	_ =	shalt  }
0x75: {  	_ =	shalt  }
0x76: {  	_ =	shalt  }
0x77: {  	_ =	shalt  }
0x78: {  	_ =	shalt  }
0x79: {  	_ =	shalt  }
0x7a: {  	_ =	shalt  }
0x7b: {  	_ =	shalt  }
0x7c: {  	_ =	shalt  }
0x7d: {  	_ =	shalt  }
0x7e: {  	_ =	shalt  }
0x7f: {  	_ =	shalt  }
0x80: {  	_ =	shalt  }
0x81: {  	_ =	shalt  }
0x82: {  	_ =	shalt  }
0x83: {  	_ =	shalt  }
0x84: {  	_ =	shalt  }
0x85: {  	_ =	shalt  }
0x86: {  	_ =	shalt  }
0x87: {  	_ =	shalt  }
.Lfunc_end0:
.L_simem_size_0:
called_computation.1_lowered:
.L_overlay_start_0:
0x88: {  	s2 =	sld [smem:$0x3FD9]  }
0x89: {  	s3 =	sld [smem:$0x3FFE];
	_ =	sdelay $0x1  }
0x8a: {  	s1 =	srdreg.scid  }
0x8b: {  	s0 =	sand.u32 $0x1, s1  }
0x8c: {  	s17 =	sshll.u32 s0, $0xA;
	s2 =	sadd.s32 s3, s2  }
0x8d: {  	s2 =	sadd.s32 s2, s17  }
0x8e: {  	[smem:$0x3FBF] =	sst s2  }
0x8f: {  	_ = 	snop  }
0x90: {  	s2 =	sld [smem:$0x3FD0];
	(tm) =	ssettm $0x1  }
0x91: {  	s18 =	sld [smem:$0x3FFB];
	_ =	sdelay $0x3  }
0x92: {  	_ =	strace s18  }
0x93: {  	s3 =	sld [smem:$0x3FFC];
	_ =	sdelay $0x3  }
0x94: {  	_ =	strace s3  }
0x95: {  	s3 =	sld [smem:$0x3FFD];
	_ =	sdelay $0x3  }
0x96: {  	_ =	strace s3  }
0x97: {  	_ =	strace $0x8FFFFFFF  }
0x98: {  	s19 =	sld [smem:$0x3FDB];
	_ =	sdelay $0x1  }
0x99: {  	s4 =	simm.s32 $_scs_section_size  }
0x9a: {  	s5 =	simm.s32 $_size__tile_overlayer_lowered;
	s6 =	simm.s32 $_tile_overlayer_lowered  }
0x9b: {  	s22 =	simm.s32 $0x1BFF;
	s21 =	sshll.u32 s6, $0x1;
	s3 =	sadd.s32 s4, s19  }
0x9c: {  	s7 =	simm.s32 $0x0;
	s20 =	sshll.u32 s5, $0x1;
	s5 =	sadd.s32 s21, s3  }
0x9d: {  	[timem:s7], [sflag:s22] =	dma.local [hbm:s5], s20  }
0x9e: {  	_ =	swait.ge [sflag:s22], s20  }
0x9f: {  	s4 =	ssub.s32 $0x0, s20;
	[sflag:s22] =	ssyncset.done $0x0  }
0xa0: {  	[sflag:s22] =	ssyncadd.s32 s4;
	_ =	sdelay $0x1  }
0xa1: {  	s23 =	simm.s32 $0x1B8B  }
0xa2: {  	_ =	swait.ge [sflag:s23], $0x1  }
0xa3: {  	[sflag:s23] =	ssyncset.done $0x0  }
0xa4: {  	s25 =	simm.s32 $0x1B8E;
	s24 =	sld [smem:$0x3FFE];
	[sflag:s23] =	ssyncadd.s32 $0xFFFFFFFF  }
0xa5: {  	s26 =	simm.s32 $execute0_lowered;
	[smem:$0x3FD2] =	sst s25  }
0xa6: {  	s5 =	sshll.u32 s26, $0x1;
	_ =	strace $0x80000049;
	[dreg:$0x1] =	wrdreg $0xFFFFFFFF  }
0xa7: {  	s28 =	simm.s32 $_size_execute0_lowered;
	s3 =	sadd.s32 s3, s5;
	[dreg:$0x0] =	wrdreg $0x0  }
0xa8: {  	s5 =	sshll.u32 s28, $0x1;
	[dreg:$0x2] =	wrdreg s3  }
0xa9: {  	[dreg:$0x3] =	wrdreg s5  }
0xaa: {  	[dreg:$0x4] =	wrdreg $0xC0  }
0xab: {  	_ =	task [dreg:s7], $0x5FFFF  }
0xac: {  	[dreg:$0x1] =	wrdreg $0xFFFFFFFF  }
0xad: {  	[dreg:$0x0] =	wrdreg $0x60  }
0xae: {  	[dreg:$0x2] =	wrdreg s24  }
0xaf: {  	[dreg:$0x3] =	wrdreg s2  }
0xb0: {  	[dreg:$0x4] =	wrdreg $0x9  }
0xb1: {  	_ =	task.clear_ibuf [dreg:s7], $0x5FFFF;
	_ =	strace $0x90000049  }
0xb2: {  	s29 =	simm.s32 $0x9;
	_ =	strace $0x8000004B  }
0xb3: {  	_ =	swait.ge [sflag:s29], $0x1  }
0xb4: {  	[sflag:s29] =	ssyncadd.s32 $0xFFFFFFFF  }
0xb5: {  	_ =	strace $0x9000004B  }
0xb6: {  	_ =	sfence  }
0xb7: {  	s30 =	sld [smem:$0x0];
	_ =	sdelay $0x2  }
0xb8: {  	s31 =	sshll.u32 s1, $0xD;
	s1 =	sshrl.u32 s1, $0x2  }
0xb9: {  	s3 =	sand.u32 $0x4000, s31;
	s1 =	sadd.s32 s1, s30  }
0xba: {  	s0 =	sor.u32 s3, s0;
	s1 =	sshll.u32 s1, $0x11  }
0xbb: {  	s0 =	sor.u32 s1, s0  }
0xbc: {  	s0 =	sadd.s32 $0x8F2B, s0  }
0xbd: {  	[sflag:s0] =	ssyncadd.remote.s32 $0x1  }
0xbe: {  	_ =	sfence.sel $0xFFFF  }
0xbf: {  	[dreg:$0x0] =	wrdreg $0xFFFFFFFF;
	(pc) =	sbr.abs _section_cstart, $3  }
0xc0: {  	[dreg:$0x1] =	wrdreg $0xFFFFFFFF  }
0xc1: {  	_ =	task.clear_ibuf [dreg:s7], $0x2FFFF;
	_ =	strace $0x9FFFFFFF  }
0xc2: {  	(tm) =	ssettm $0x7FFFFFFF  }
0xc3: {  	_ =	shalt  }
tec
execute0_lowered:
.L_overlay_start_1:
0x0: {  	(tag) =	ssettag $0x1  }
0x1: {  	s2 =	srdreg.scid;
	s1 =	rddreg [dreg:$0x0]  }
0x2: {  	s3 =	rddreg [dreg:$0x1];
	s4 =	sand.u32 $0x1, s2;
	s2 =	simm.s32 $0x0  }
0x3: {  	s22 =	simm.s32 $0x80;
	[smem:$0x7FF] =	sst s2  }
0x4: {  	s23 =	simm.s32 $0x900;
	_ =	strace $0x8000004A;
	[dreg:$0x7] =	wrdreg s22  }
0x5: {  	s24 =	simm.s32 $0x1100;
	[dreg:$0x8] =	wrdreg s23  }
0x6: {  	s25 =	simm.s32 $0x1900;
	[dreg:$0x9] =	wrdreg s24  }
0x7: {  	s0 =	stileid.u32;
	s26 =	simm.s32 $0x2100;
	[dreg:$0xa] =	wrdreg s25  }
0x8: {  	s5 =	sshll.u32 s0, $0x4;
	s0 =	simm.s32 $0x2900;
	[dreg:$0xb] =	wrdreg s26  }
0x9: {  	s8 =	simm.s32 $0x4900;
	[dreg:$0xc] =	wrdreg s0  }
0xa: {  	s9 =	simm.s32 $0x5100;
	[dreg:$0x10] =	wrdreg s8  }
0xb: {  	s10 =	simm.s32 $0x5900;
	[dreg:$0x11] =	wrdreg s9  }
0xc: {  	s11 =	simm.s32 $0x6100;
	s12 =	simm.s32 $0x6900;
	[dreg:$0x12] =	wrdreg s10  }
0xd: {  	s13 =	simm.s32 $0x7100;
	s14 =	simm.s32 $0x7900;
	[dreg:$0x13] =	wrdreg s11  }
0xe: {  	s15 =	simm.s32 $0x8100;
	s16 =	simm.s32 $0x8900;
	[dreg:$0x14] =	wrdreg s12  }
0xf: {  	s17 =	simm.s32 $0x9100;
	s18 =	simm.s32 $0x9900;
	[dreg:$0x15] =	wrdreg s13  }
0x10: {  	s28 =	simm.s32 $0x16900;
	s29 =	simm.s32 $0x17100;
	[dreg:$0x16] =	wrdreg s14  }
0x11: {  	s30 =	simm.s32 $0x17900;
	s31 =	simm.s32 $0x1;
	[dreg:$0x17] =	wrdreg s15  }
0x12: {  	s6 =	sshll.u32 s4, $0x3;
	s4 =	ssub.s32 $0x2, s4;
	[dreg:$0x18] =	wrdreg s16  }
0x13: {  	s5 =	sor.u32 s6, s5;
	[dreg:$0x19] =	wrdreg s17;
	s19 =	sshrl.u32 s4, $0x1  }
0x14: {  	[dreg:$0x1a] =	wrdreg s18;
	s22 =	simm.s32 $0xB100;
	s23 =	simm.s32 $0xB900  }
0x15: {  	s24 =	simm.s32 $0xC900;
	s25 =	simm.s32 $0xD100;
	s8 =	simm.s32 $0x100  }
0x16: {  	s26 =	simm.s32 $0xD900;
	s9 =	simm.s32 $0xC100;
	s11 =	simm.s32 $0xE900  }
0x17: {  	s12 =	simm.s32 $0xF100;
	s13 =	simm.s32 $0xF900;
	[dreg:$0x1d] =	wrdreg s22  }
0x18: {  	s14 =	simm.s32 $0x10100;
	s15 =	simm.s32 $0x10900;
	[dreg:$0x1e] =	wrdreg s23  }
0x19: {  	s16 =	simm.s32 $0x11100;
	s17 =	simm.s32 $0x11900;
	[dreg:$0x1f] =	wrdreg s24  }
0x1a: {  	s18 =	simm.s32 $0x12100;
	s6 =	sadd.s32 s5, s1;
	[smem:$0x7FC] =	sst s25  }
0x1b: {  	s5 =	smul.u32 $0x300, s5;
	[smem:$0x7FD] =	sst s26;
	s7 =	sadd.s32 $0x1800, s6  }
0x1c: {  	s22 =	simm.s32 $0x14100;
	s6 =	sadd.s32 $0x1A00, s6;
	[dreg:$0x3] =	wrdreg s7  }
0x1d: {  	s23 =	simm.s32 $0x14900;
	[dreg:$0x4] =	wrdreg s6;
	s3 =	sadd.s32 s3, s5  }
0x1e: {  	s20 =	sadd.s32 s5, s1;
	s5 =	simm.s32 $0x3100;
	[dreg:$0x5] =	wrdreg s3  }
0x1f: {  	s24 =	simm.s32 $0x15100;
	s6 =	simm.s32 $0x3900;
	[dreg:$0xd] =	wrdreg s5  }
0x20: {  	s25 =	simm.s32 $0x15900;
	s7 =	simm.s32 $0x4100;
	[dreg:$0xe] =	wrdreg s6  }
0x21: {  	s26 =	simm.s32 $0x16100;
	s21 =	sadd.s32 $0x91C00, s20;
	[dreg:$0xf] =	wrdreg s7  }
0x22: {  	s3 =	sadd.s32 $0x1C00, s1;
	s20 =	simm.s32 $0xA100;
	s6 =	ssub.s32 s4, s19  }
0x23: {  	s4 =	sadd.s32 $0x1D00, s1;
	s5 =	sadd.s32 $0x1E00, s1;
	s7 =	simm.s32 $0x3  }
0x24: {  	v2 =	vlaneseq.u32;
	s19 =	simm.s32 $0x12900;
	s1 =	simm.s32 $0x2;
	[dreg:$0x6] =	wrdreg s21  }
0x25: {  	vm0 =	vmmov $0xffff;
	v1 =	vshrl.u32 v2, $0x3;
	[dreg:$0x1b] =	wrdreg s20;
	s21 =	simm.s32 $0xA900;
	s6 =	smax.u32 s6, $0x1  }
0x26: {  	v0 =	vand.u32 $0x7, v2;
	v2 =	vor.u32 $0x8, v2;
	v1 =	vmul.u32 $0x8, v1;
	s20 =	simm.s32 $0x13100;
	[dreg:$0x1c] =	wrdreg s21;
	s21 =	simm.s32 $0x13900  }
.LBB2_1:
0x27: {  	s0 =	rddreg [dreg:$0x3]  }
0x28: {  	[tilespmem:s2], [sflag:$0x3] =	stream.linear.gather [hbm4b:s0+s2], $0x40, $0x38;
	[tilespmem:$0x18100] =	vst v63  }
0x29: {  	_ =	swait.ge [sflag:s7], $0x40  }
0x2a: {  	s0 =	rddreg [dreg:$0x4];
	[sflag:s7] =	ssyncset.done $0x0  }
0x2b: {  	s10 =	rddreg [dreg:$0x7];
	[sflag:s7] =	ssyncadd.s32 $0xFFFFFFC0  }
0x2c: {  	[tilespmem:s10], [sflag:$0x3] =	stream.linear.gather [hbm4b:s0+s2], $0x40, $0x38;
	[tilespmem:$0x18100] =	vst v63  }
0x2d: {  	_ =	swait.ge [sflag:s7], $0x40  }
0x2e: {  	[sflag:s7] =	ssyncset.done $0x0  }
0x2f: {  	[sflag:s7] =	ssyncadd.s32 $0xFFFFFFC0  }
0x30: {  	v3 =	vld [tilespmem:$0x0];
	_ =	sdelay $0x4  }
0x31: {  	v4 =	vshrl.u32 v3, $0x3  }
0x32: {  	v4 =	vmul.u32 $0x30, v4  }
0x33: {  	v3 =	vand.u32 $0x7, v3  }
0x34: {  	v3 =	vor.u32 v3, v4  }
0x35: {  	v4 =	vperm.xlane v3, v0;
	_ =	sdelay $0x1  }
0x36: {  	v4 =	vadd.s32 v1, v4;
	_ =	sdelay $0x3  }
0x37: {  	v3 =	vperm.xlane v3, v2  }
0x38: {  	[tilespmem:s8], [sflag:$0x1] =	stream.indirect_vreg.gather [hbm4b:s3+s2], $0x80, v4, vm0, $0xb8;
	[tilespmem:$0x18100] =	vst v63  }
0x39: {  	s0 =	rddreg [dreg:$0x8];
	v3 =	vadd.s32 v1, v3  }
0x3a: {  	[tilespmem:s0], [sflag:$0x1] =	stream.indirect_vreg.gather [hbm4b:s4+s2], $0x80, v4, vm0, $0xb8;
	[tilespmem:$0x18100] =	vst v63  }
0x3b: {  	s10 =	rddreg [dreg:$0x9]  }
0x3c: {  	[tilespmem:s10], [sflag:$0x1] =	stream.indirect_vreg.gather [hbm4b:s5+s2], $0x80, v4, vm0, $0xb8;
	[tilespmem:$0x18100] =	vst v63  }
0x3d: {  	s0 =	rddreg [dreg:$0xa]  }
0x3e: {  	[tilespmem:s0], [sflag:$0x1] =	stream.indirect_vreg.gather [hbm4b:s3+s2], $0x80, v3, vm0, $0xb8;
	[tilespmem:$0x18100] =	vst v63  }
0x3f: {  	s10 =	rddreg [dreg:$0xb]  }
0x40: {  	[tilespmem:s10], [sflag:$0x1] =	stream.indirect_vreg.gather [hbm4b:s4+s2], $0x80, v3, vm0, $0xb8;
	[tilespmem:$0x18100] =	vst v63  }
0x41: {  	s0 =	rddreg [dreg:$0xc]  }
0x42: {  	[tilespmem:s0], [sflag:$0x1] =	stream.indirect_vreg.gather [hbm4b:s5+s2], $0x80, v3, vm0, $0xb8;
	[tilespmem:$0x18100] =	vst v63  }
0x43: {  	v3 =	vld [tilespmem:$0x10];
	_ =	sdelay $0x4  }
0x44: {  	v57 =	vshrl.u32 v3, $0x3  }
0x45: {  	v4 =	vmul.u32 $0x30, v57  }
0x46: {  	v3 =	vand.u32 $0x7, v3  }
0x47: {  	v3 =	vor.u32 v3, v4  }
0x48: {  	v4 =	vperm.xlane v3, v0;
	_ =	sdelay $0x1  }
0x49: {  	v4 =	vadd.s32 v1, v4;
	_ =	sdelay $0x3  }
0x4a: {  	s0 =	rddreg [dreg:$0xd];
	v3 =	vperm.xlane v3, v2  }
0x4b: {  	[tilespmem:s0], [sflag:$0x1] =	stream.indirect_vreg.gather [hbm4b:s3+s2], $0x80, v4, vm0, $0xb8;
	[tilespmem:$0x18100] =	vst v63  }
0x4c: {  	s10 =	rddreg [dreg:$0xe];
	v3 =	vadd.s32 v1, v3  }
0x4d: {  	[tilespmem:s10], [sflag:$0x1] =	stream.indirect_vreg.gather [hbm4b:s4+s2], $0x80, v4, vm0, $0xb8;
	[tilespmem:$0x18100] =	vst v63  }
0x4e: {  	s0 =	rddreg [dreg:$0xf]  }
0x4f: {  	[tilespmem:s0], [sflag:$0x1] =	stream.indirect_vreg.gather [hbm4b:s5+s2], $0x80, v4, vm0, $0xb8;
	[tilespmem:$0x18100] =	vst v63  }
0x50: {  	s10 =	rddreg [dreg:$0x10]  }
0x51: {  	[tilespmem:s10], [sflag:$0x1] =	stream.indirect_vreg.gather [hbm4b:s3+s2], $0x80, v3, vm0, $0xb8;
	[tilespmem:$0x18100] =	vst v63  }
0x52: {  	s0 =	rddreg [dreg:$0x11]  }
0x53: {  	[tilespmem:s0], [sflag:$0x1] =	stream.indirect_vreg.gather [hbm4b:s4+s2], $0x80, v3, vm0, $0xb8;
	[tilespmem:$0x18100] =	vst v63  }
0x54: {  	s10 =	rddreg [dreg:$0x12]  }
0x55: {  	[tilespmem:s10], [sflag:$0x1] =	stream.indirect_vreg.gather [hbm4b:s5+s2], $0x80, v3, vm0, $0xb8;
	[tilespmem:$0x18100] =	vst v63  }
0x56: {  	v3 =	vld [tilespmem:$0x20];
	_ =	sdelay $0x4  }
0x57: {  	v58 =	vshrl.u32 v3, $0x3  }
0x58: {  	v4 =	vmul.u32 $0x30, v58  }
0x59: {  	v3 =	vand.u32 $0x7, v3  }
0x5a: {  	v3 =	vor.u32 v3, v4  }
0x5b: {  	v4 =	vperm.xlane v3, v0;
	_ =	sdelay $0x1  }
0x5c: {  	v4 =	vadd.s32 v1, v4;
	_ =	sdelay $0x3  }
0x5d: {  	s0 =	rddreg [dreg:$0x13];
	v3 =	vperm.xlane v3, v2  }
0x5e: {  	[tilespmem:s0], [sflag:$0x1] =	stream.indirect_vreg.gather [hbm4b:s3+s2], $0x80, v4, vm0, $0xb8;
	[tilespmem:$0x18100] =	vst v63  }
0x5f: {  	s10 =	rddreg [dreg:$0x14];
	v3 =	vadd.s32 v1, v3  }
0x60: {  	[tilespmem:s10], [sflag:$0x1] =	stream.indirect_vreg.gather [hbm4b:s4+s2], $0x80, v4, vm0, $0xb8;
	[tilespmem:$0x18100] =	vst v63  }
0x61: {  	s0 =	rddreg [dreg:$0x15]  }
0x62: {  	[tilespmem:s0], [sflag:$0x1] =	stream.indirect_vreg.gather [hbm4b:s5+s2], $0x80, v4, vm0, $0xb8;
	[tilespmem:$0x18100] =	vst v63  }
0x63: {  	s10 =	rddreg [dreg:$0x16]  }
0x64: {  	[tilespmem:s10], [sflag:$0x1] =	stream.indirect_vreg.gather [hbm4b:s3+s2], $0x80, v3, vm0, $0xb8;
	[tilespmem:$0x18100] =	vst v63  }
0x65: {  	s0 =	rddreg [dreg:$0x17]  }
0x66: {  	[tilespmem:s0], [sflag:$0x1] =	stream.indirect_vreg.gather [hbm4b:s4+s2], $0x80, v3, vm0, $0xb8;
	[tilespmem:$0x18100] =	vst v63  }
0x67: {  	s10 =	rddreg [dreg:$0x18]  }
0x68: {  	[tilespmem:s10], [sflag:$0x1] =	stream.indirect_vreg.gather [hbm4b:s5+s2], $0x80, v3, vm0, $0xb8;
	[tilespmem:$0x18100] =	vst v63  }
0x69: {  	v3 =	vld [tilespmem:$0x30];
	_ =	sdelay $0x4  }
0x6a: {  	v59 =	vshrl.u32 v3, $0x3  }
0x6b: {  	v4 =	vmul.u32 $0x30, v59  }
0x6c: {  	v3 =	vand.u32 $0x7, v3  }
0x6d: {  	v3 =	vor.u32 v3, v4  }
0x6e: {  	v4 =	vperm.xlane v3, v0;
	_ =	sdelay $0x1  }
0x6f: {  	v4 =	vadd.s32 v1, v4;
	_ =	sdelay $0x3  }
0x70: {  	s0 =	rddreg [dreg:$0x19];
	v3 =	vperm.xlane v3, v2  }
0x71: {  	[tilespmem:s0], [sflag:$0x1] =	stream.indirect_vreg.gather [hbm4b:s3+s2], $0x80, v4, vm0, $0xb8;
	[tilespmem:$0x18100] =	vst v63  }
0x72: {  	s10 =	rddreg [dreg:$0x1a];
	v3 =	vadd.s32 v1, v3  }
0x73: {  	[tilespmem:s10], [sflag:$0x1] =	stream.indirect_vreg.gather [hbm4b:s4+s2], $0x80, v4, vm0, $0xb8;
	[tilespmem:$0x18100] =	vst v63  }
0x74: {  	s0 =	rddreg [dreg:$0x1b]  }
0x75: {  	[tilespmem:s0], [sflag:$0x1] =	stream.indirect_vreg.gather [hbm4b:s5+s2], $0x80, v4, vm0, $0xb8;
	[tilespmem:$0x18100] =	vst v63  }
0x76: {  	s10 =	rddreg [dreg:$0x1c]  }
0x77: {  	[tilespmem:s10], [sflag:$0x1] =	stream.indirect_vreg.gather [hbm4b:s3+s2], $0x80, v3, vm0, $0xb8;
	[tilespmem:$0x18100] =	vst v63  }
0x78: {  	s0 =	rddreg [dreg:$0x1d]  }
0x79: {  	[tilespmem:s0], [sflag:$0x1] =	stream.indirect_vreg.gather [hbm4b:s4+s2], $0x80, v3, vm0, $0xb8;
	[tilespmem:$0x18100] =	vst v63  }
0x7a: {  	s10 =	rddreg [dreg:$0x1e]  }
0x7b: {  	[tilespmem:s10], [sflag:$0x1] =	stream.indirect_vreg.gather [hbm4b:s5+s2], $0x80, v3, vm0, $0xb8;
	[tilespmem:$0x18100] =	vst v63  }
0x7c: {  	v3 =	vld [tilespmem:$0x80];
	_ =	sdelay $0x4  }
0x7d: {  	v60 =	vshrl.u32 v3, $0x3  }
0x7e: {  	v4 =	vmul.u32 $0x30, v60  }
0x7f: {  	v3 =	vand.u32 $0x7, v3  }
0x80: {  	v3 =	vor.u32 v3, v4  }
0x81: {  	v4 =	vperm.xlane v3, v0;
	_ =	sdelay $0x1  }
0x82: {  	v4 =	vadd.s32 v1, v4;
	_ =	sdelay $0x3  }
0x83: {  	s0 =	rddreg [dreg:$0x1f];
	v3 =	vperm.xlane v3, v2  }
0x84: {  	[tilespmem:s9], [sflag:$0x2] =	stream.indirect_vreg.gather [hbm4b:s3+s2], $0x80, v4, vm0, $0xb8;
	[tilespmem:$0x18100] =	vst v63  }
0x85: {  	s10 =	sld [smem:$0x7FC];
	v3 =	vadd.s32 v1, v3  }
0x86: {  	[tilespmem:s0], [sflag:$0x2] =	stream.indirect_vreg.gather [hbm4b:s4+s2], $0x80, v4, vm0, $0xb8;
	[tilespmem:$0x18100] =	vst v63  }
0x87: {  	s0 =	sld [smem:$0x7FD]  }
0x88: {  	[tilespmem:s10], [sflag:$0x2] =	stream.indirect_vreg.gather [hbm4b:s5+s2], $0x80, v4, vm0, $0xb8;
	[tilespmem:$0x18100] =	vst v63  }
0x89: {  	_ = 	snop  }
0x8a: {  	[tilespmem:s0], [sflag:$0x2] =	stream.indirect_vreg.gather [hbm4b:s3+s2], $0x80, v3, vm0, $0xb8;
	[tilespmem:$0x18100] =	vst v63  }
0x8b: {  	s10 =	simm.s32 $0xE100  }
0x8c: {  	[tilespmem:s10], [sflag:$0x2] =	stream.indirect_vreg.gather [hbm4b:s4+s2], $0x80, v3, vm0, $0xb8;
	[tilespmem:$0x18100] =	vst v63  }
0x8d: {  	_ = 	snop  }
0x8e: {  	[tilespmem:s11], [sflag:$0x2] =	stream.indirect_vreg.gather [hbm4b:s5+s2], $0x80, v3, vm0, $0xb8;
	[tilespmem:$0x18100] =	vst v63  }
0x8f: {  	v3 =	vld [tilespmem:$0x90];
	_ =	sdelay $0x4  }
0x90: {  	v61 =	vshrl.u32 v3, $0x3  }
0x91: {  	v4 =	vmul.u32 $0x30, v61  }
0x92: {  	v3 =	vand.u32 $0x7, v3  }
0x93: {  	v3 =	vor.u32 v3, v4  }
0x94: {  	v4 =	vperm.xlane v3, v0;
	_ =	sdelay $0x1  }
0x95: {  	v4 =	vadd.s32 v1, v4;
	_ =	sdelay $0x3  }
0x96: {  	v3 =	vperm.xlane v3, v2  }
0x97: {  	[tilespmem:s12], [sflag:$0x2] =	stream.indirect_vreg.gather [hbm4b:s3+s2], $0x80, v4, vm0, $0xb8;
	[tilespmem:$0x18100] =	vst v63  }
0x98: {  	v3 =	vadd.s32 v1, v3  }
0x99: {  	[tilespmem:s13], [sflag:$0x2] =	stream.indirect_vreg.gather [hbm4b:s4+s2], $0x80, v4, vm0, $0xb8;
	[tilespmem:$0x18100] =	vst v63  }
0x9a: {  	_ = 	snop  }
0x9b: {  	[tilespmem:s14], [sflag:$0x2] =	stream.indirect_vreg.gather [hbm4b:s5+s2], $0x80, v4, vm0, $0xb8;
	[tilespmem:$0x18100] =	vst v63  }
0x9c: {  	_ = 	snop  }
0x9d: {  	[tilespmem:s15], [sflag:$0x2] =	stream.indirect_vreg.gather [hbm4b:s3+s2], $0x80, v3, vm0, $0xb8;
	[tilespmem:$0x18100] =	vst v63  }
0x9e: {  	_ = 	snop  }
0x9f: {  	[tilespmem:s16], [sflag:$0x2] =	stream.indirect_vreg.gather [hbm4b:s4+s2], $0x80, v3, vm0, $0xb8;
	[tilespmem:$0x18100] =	vst v63  }
0xa0: {  	_ = 	snop  }
0xa1: {  	[tilespmem:s17], [sflag:$0x2] =	stream.indirect_vreg.gather [hbm4b:s5+s2], $0x80, v3, vm0, $0xb8;
	[tilespmem:$0x18100] =	vst v63  }
0xa2: {  	v3 =	vld [tilespmem:$0xA0];
	_ =	sdelay $0x4  }
0xa3: {  	v62 =	vshrl.u32 v3, $0x3  }
0xa4: {  	v4 =	vmul.u32 $0x30, v62  }
0xa5: {  	v3 =	vand.u32 $0x7, v3  }
0xa6: {  	v3 =	vor.u32 v3, v4  }
0xa7: {  	v4 =	vperm.xlane v3, v0;
	_ =	sdelay $0x1  }
0xa8: {  	v4 =	vadd.s32 v1, v4;
	_ =	sdelay $0x3  }
0xa9: {  	v3 =	vperm.xlane v3, v2  }
0xaa: {  	[tilespmem:s18], [sflag:$0x2] =	stream.indirect_vreg.gather [hbm4b:s3+s2], $0x80, v4, vm0, $0xb8;
	[tilespmem:$0x18100] =	vst v63  }
0xab: {  	v3 =	vadd.s32 v1, v3  }
0xac: {  	[tilespmem:s19], [sflag:$0x2] =	stream.indirect_vreg.gather [hbm4b:s4+s2], $0x80, v4, vm0, $0xb8;
	[tilespmem:$0x18100] =	vst v63  }
0xad: {  	_ = 	snop  }
0xae: {  	[tilespmem:s20], [sflag:$0x2] =	stream.indirect_vreg.gather [hbm4b:s5+s2], $0x80, v4, vm0, $0xb8;
	[tilespmem:$0x18100] =	vst v63  }
0xaf: {  	_ = 	snop  }
0xb0: {  	[tilespmem:s21], [sflag:$0x2] =	stream.indirect_vreg.gather [hbm4b:s3+s2], $0x80, v3, vm0, $0xb8;
	[tilespmem:$0x18100] =	vst v63  }
0xb1: {  	_ = 	snop  }
0xb2: {  	[tilespmem:s22], [sflag:$0x2] =	stream.indirect_vreg.gather [hbm4b:s4+s2], $0x80, v3, vm0, $0xb8;
	[tilespmem:$0x18100] =	vst v63  }
0xb3: {  	_ = 	snop  }
0xb4: {  	[tilespmem:s23], [sflag:$0x2] =	stream.indirect_vreg.gather [hbm4b:s5+s2], $0x80, v3, vm0, $0xb8;
	[tilespmem:$0x18100] =	vst v63  }
0xb5: {  	v3 =	vld [tilespmem:$0xB0];
	_ =	sdelay $0x4  }
0xb6: {  	v63 =	vshrl.u32 v3, $0x3  }
0xb7: {  	v4 =	vmul.u32 $0x30, v63  }
0xb8: {  	v3 =	vand.u32 $0x7, v3  }
0xb9: {  	v3 =	vor.u32 v3, v4  }
0xba: {  	v4 =	vperm.xlane v3, v0;
	_ =	sdelay $0x1  }
0xbb: {  	v4 =	vadd.s32 v1, v4;
	_ =	sdelay $0x3  }
0xbc: {  	v3 =	vperm.xlane v3, v2  }
0xbd: {  	[tilespmem:s24], [sflag:$0x2] =	stream.indirect_vreg.gather [hbm4b:s3+s2], $0x80, v4, vm0, $0xb8;
	[tilespmem:$0x18100] =	vst v63  }
0xbe: {  	v3 =	vadd.s32 v1, v3  }
0xbf: {  	[tilespmem:s25], [sflag:$0x2] =	stream.indirect_vreg.gather [hbm4b:s4+s2], $0x80, v4, vm0, $0xb8;
	[tilespmem:$0x18100] =	vst v63  }
0xc0: {  	_ = 	snop  }
0xc1: {  	[tilespmem:s26], [sflag:$0x2] =	stream.indirect_vreg.gather [hbm4b:s5+s2], $0x80, v4, vm0, $0xb8;
	[tilespmem:$0x18100] =	vst v63  }
0xc2: {  	_ = 	snop  }
0xc3: {  	[tilespmem:s28], [sflag:$0x2] =	stream.indirect_vreg.gather [hbm4b:s3+s2], $0x80, v3, vm0, $0xb8;
	[tilespmem:$0x18100] =	vst v63  }
0xc4: {  	_ = 	snop  }
0xc5: {  	[tilespmem:s29], [sflag:$0x2] =	stream.indirect_vreg.gather [hbm4b:s4+s2], $0x80, v3, vm0, $0xb8;
	[tilespmem:$0x18100] =	vst v63  }
0xc6: {  	_ = 	snop  }
0xc7: {  	[tilespmem:s30], [sflag:$0x2] =	stream.indirect_vreg.gather [hbm4b:s5+s2], $0x80, v3, vm0, $0xb8;
	[tilespmem:$0x18100] =	vst v63  }
0xc8: {  	_ =	swait.ge [sflag:s31], $0xC000  }
0xc9: {  	[sflag:s31] =	ssyncset.done $0x0  }
0xca: {  	s10 =	rddreg [dreg:$0x5];
	[sflag:s31] =	ssyncadd.s32 $0xFFFF4000  }
0xcb: {  	[hbm4b:s10+s2] =	stream.linear.scatter [tilespmem:s8], [sflag:$0x3], $0xC000, $0x38;
	[tilespmem:$0x18100] =	vst v63  }
0xcc: {  	_ =	swait.ge [sflag:s7], $0xC000  }
0xcd: {  	[sflag:s7] =	ssyncset.done $0x0  }
0xce: {  	[sflag:s7] =	ssyncadd.s32 $0xFFFF4000  }
0xcf: {  	_ =	swait.ge [sflag:s1], $0xC000  }
0xd0: {  	p0 =	sne.s32 s6, $0x1;
	[sflag:s1] =	ssyncset.done $0x0  }
.Ltmp0:
0xd1: {  	s10 =	rddreg [dreg:$0x6];
	[sflag:s1] =	ssyncadd.s32 $0xFFFF4000;
	(pc) =	sbr.rel @p0 .LBB2_1-.Ltmp0, $4  }
0xd2: {  	[hbm4b:s10+s2] =	stream.linear.scatter [tilespmem:s9], [sflag:$0x3], $0xC000, $0x38;
	[tilespmem:$0x18100] =	vst v63  }
0xd3: {  	_ =	swait.ge [sflag:s7], $0xC000  }
0xd4: {  	[sflag:s7] =	ssyncset.done $0x0  }
0xd5: {  	s6 =	sadd.s32 $0xFFFFFFFF, s6;
	[sflag:s7] =	ssyncadd.s32 $0xFFFF4000  }
0xd6: {  	_ =	sfence.sel $0x180000  }
0xd7: {  	[bflag:$0x0] =	sbarrier.arrive $0xFFFF  }
0xd8: {  	_ =	strace $0x9000004A  }
0xd9: {  	s0 =	stileid.u32;
	[bflag:$0x2] =	sbarrier.arrive $0xFFFF  }
0xda: {  	p0 =	sne.s32 s0, $0x0;
	s0 =	rddreg [dreg:$0x2]  }
0xdb: {  	s0 =	sadd.s32 @!p0 $0x100000, s0  }
0xdc: {  	[sflag:s0] =	ssyncadd.tile.s32 @!p0 $0x1;
	_ =	shalt  }
.Lfunc_end2:
_tile_overlayer_lowered:
.L_overlay_start_2:
0xdd: {  	(tag) =	ssettag $0x2  }
0xde: {  	s0 =	rddreg [dreg:$0x0];
	s2 =	stileid.u32  }
0xdf: {  	s1 =	rddreg [dreg:$0x1];
	p0 =	sne.s32 s2, $0x0  }
0xe0: {  	s3 =	rddreg [dreg:$0x2];
	[bflag:$0x3] =	sbarrier.arrive $0xFFFF;
	s2 =	simm.s32 @!p0 $0x1C03  }
0xe1: {  	[timem:s3], [sflag:s2] =	dma.local @!p0 [hbm:s0], s1  }
0xe2: {  	s0 =	simm.s32 @!p0 $0x3  }
0xe3: {  	_ =	swait.ge @!p0 [sflag:s0], s1  }
0xe4: {  	s1 =	ssub.s32 @!p0 $0x0, s1;
	[sflag:s0] =	ssyncset.done @!p0 $0x0  }
0xe5: {  	[sflag:s0] =	ssyncadd.s32 @!p0 s1  }
0xe6: {  	[bflag:$0x3] =	sbarrier.arrive $0xFFFF  }
0xe7: {  	_ =	shalt  }

// kernel: kernel.8.cloned.1.call-start
scs
__scs_entry_jumppad:
0x0: {  	(pc) =	sbr.rel $0x88, $3  }
0x1: {  	(tag) =	ssettag $0x0;
	lr =	simm.s32 $0x1  }
0x2: {  	[smem:$0x3F98] =	sst lr;
	_ =	strace $0xD0000000  }
0x3: {  	_ = 	snop  }
0x4: {  	_ = 	snop  }
0x5: {  	_ = 	snop  }
0x6: {  	_ = 	snop  }
0x7: {  	_ = 	snop  }
__scs_overlays_trampoline_lowered:
0x8: {  	[smem:$0x3FA7] =	sst s0  }
0x9: {  	[smem:$0x3FA8] =	sst s1  }
0xa: {  	[smem:$0x3FA9] =	sst s2  }
0xb: {  	[smem:$0x3FAA] =	sst s3  }
0xc: {  	[smem:$0x3FAB] =	sst s4  }
0xd: {  	[smem:$0x3FAC] =	sst s5  }
0xe: {  	[smem:$0x3FAD] =	sst s6  }
0xf: {  	[smem:$0x3FAE] =	sst s7  }
0x10: {  	[smem:$0x3FAF] =	sst s8  }
0x11: {  	[smem:$0x3FB0] =	sst s9;
	s0 =	simm.s32 @!p0 $0x0  }
0x12: {  	s1 =	sld [smem:$0x3F96];
	s0 =	simm.s32 @p0 $0x1  }
0x13: {  	[smem:$0x3FB1] =	sst s0;
	s0 =	simm.s32 @!p1 $0x0  }
0x14: {  	s2 =	sld [smem:$0x3F95];
	s0 =	simm.s32 @p1 $0x1  }
0x15: {  	[smem:$0x3FB2] =	sst s0;
	s0 =	simm.s32 @!p2 $0x0  }
0x16: {  	s3 =	sld [smem:$0x3FDB];
	s0 =	simm.s32 @p2 $0x1  }
0x17: {  	s4 =	simm.s32 $0x1BF5;
	[smem:$0x3FB4] =	sst s0  }
0x18: {  	s0 =	sld [smem:$0x3F97];
	_ =	swait.ge [sflag:s4], $0x0  }
0x19: {  	s7 =	sld [smem:$0x3F98]  }
0x1a: {  	s8 =	sadd.s32 $0xFFFFE003, lr  }
0x1b: {  	s9 =	sadd.s32 $0xFFFFFEF7, lr;
	s5 =	simm.s32 $0xFFFFFFFF;
	p2 =	slt.u32 s8, $0xFFFFF086  }
0x1c: {  	p1 =	slt.u32 s9, $0xF7A;
	s5 =	simm.s32 @!p2 $0x0  }
0x1d: {  	s5 =	simm.s32 @p1 $0x1;
	p0 =	seq.s32 s7, s2  }
0x1e: {  	s7 =	smul.u32 @!p0 $0xF7A, s2;
	p2 =	seq.s32 @!p0 s5, $0x0  }
0x1f: {  	s9 =	smul.u32 $0xF7A, s1;
	s8 =	simm.s32 @!p0 $0x1BF5;
	p2 =	por !p2, p0  }
0x20: {  	[sflag:s8] =	ssyncset.s32 @!p0 $0xFFFFF086;
	s6 =	sadd.s32 @!p0 s3, s7;
	s7 =	simm.s32 @!p0 $0x108  }
0x21: {  	s3 =	sadd.s32 s3, s9;
	s6 =	sadd.s32 @!p0 $0x88, s6;
	s7 =	simm.s32 @p2 $0x1082  }
0x22: {  	[simem:s7], [sflag:s8] =	dma.local @!p0 [hbm:s6], $0xF7A  }
0x23: {  	s9 =	sor.u32 $0xD0000000, s2;
	s6 =	simm.s32 $0x108;
	_ =	swait.ge @!p0 [sflag:s8], $0x0  }
0x24: {  	s3 =	sadd.s32 $0x88, s3;
	s6 =	simm.s32 @!p1 $0x1082;
	[sflag:s4] =	ssyncset.s32 $0xFFFFF086  }
0x25: {  	[simem:s6], [sflag:s4] =	dma.local [hbm:s3], $0xF7A  }
0x26: {  	[smem:$0x3F98] =	sst s1;
	(tag) =	ssettag s2;
	_ =	strace s9  }
0x27: {  	s1 =	sld [smem:$0x3FA8]  }
0x28: {  	s2 =	sld [smem:$0x3FA9]  }
0x29: {  	s4 =	sld [smem:$0x3FAB]  }
0x2a: {  	p0 =	seq.s32 s5, $0x0;
	s5 =	sld [smem:$0x3FAC]  }
0x2b: {  	s6 =	sld [smem:$0x3FAD]  }
0x2c: {  	s7 =	sld [smem:$0x3FAE]  }
0x2d: {  	s3 =	simm.s32 $0x108;
	s8 =	sld [smem:$0x3FAF]  }
0x2e: {  	s3 =	simm.s32 @!p0 $0x1082;
	s9 =	sld [smem:$0x3FB0]  }
0x2f: {  	lr =	sadd.s32 s0, s3;
	s0 =	sld [smem:$0x3FA7]  }
0x30: {  	s3 =	sld [smem:$0x3FAA]  }
0x31: {  	[smem:$0x3FB3] =	sst s10  }
0x32: {  	s10 =	sld [smem:$0x3FB1];
	_ =	sdelay $0x3  }
0x33: {  	p0 =	seq.s32 s10, $0x1;
	s10 =	sld [smem:$0x3FB3];
	_ =	sdelay $0x3  }
0x34: {  	[smem:$0x3FB3] =	sst s10  }
0x35: {  	s10 =	sld [smem:$0x3FB2];
	_ =	sdelay $0x3  }
0x36: {  	p1 =	seq.s32 s10, $0x1;
	s10 =	sld [smem:$0x3FB3];
	_ =	sdelay $0x3  }
0x37: {  	[smem:$0x3FB3] =	sst s10  }
0x38: {  	s10 =	sld [smem:$0x3FB4]  }
0x39: {  	_ = 	snop;
	(pc) =	sbr.ind lr, $3  }
0x3a: {  	_ = 	snop  }
0x3b: {  	_ = 	snop  }
0x3c: {  	p2 =	seq.s32 s10, $0x1;
	s10 =	sld [smem:$0x3FB3]  }
0x3d: {  	_ =	shalt  }
0x3e: {  	_ =	shalt  }
0x3f: {  	_ =	shalt  }
0x40: {  	_ =	shalt  }
0x41: {  	_ =	shalt  }
0x42: {  	_ =	shalt  }
0x43: {  	_ =	shalt  }
0x44: {  	_ =	shalt  }
0x45: {  	_ =	shalt  }
0x46: {  	_ =	shalt  }
0x47: {  	_ =	shalt  }
0x48: {  	_ =	shalt  }
0x49: {  	_ =	shalt  }
0x4a: {  	_ =	shalt  }
0x4b: {  	_ =	shalt  }
0x4c: {  	_ =	shalt  }
0x4d: {  	_ =	shalt  }
0x4e: {  	_ =	shalt  }
0x4f: {  	_ =	shalt  }
0x50: {  	_ =	shalt  }
0x51: {  	_ =	shalt  }
0x52: {  	_ =	shalt  }
0x53: {  	_ =	shalt  }
0x54: {  	_ =	shalt  }
0x55: {  	_ =	shalt  }
0x56: {  	_ =	shalt  }
0x57: {  	_ =	shalt  }
0x58: {  	_ =	shalt  }
0x59: {  	_ =	shalt  }
0x5a: {  	_ =	shalt  }
0x5b: {  	_ =	shalt  }
0x5c: {  	_ =	shalt  }
0x5d: {  	_ =	shalt  }
0x5e: {  	_ =	shalt  }
0x5f: {  	_ =	shalt  }
0x60: {  	_ =	shalt  }
0x61: {  	_ =	shalt  }
0x62: {  	_ =	shalt  }
0x63: {  	_ =	shalt  }
0x64: {  	_ =	shalt  }
0x65: {  	_ =	shalt  }
0x66: {  	_ =	shalt  }
0x67: {  	_ =	shalt  }
0x68: {  	_ =	shalt  }
0x69: {  	_ =	shalt  }
0x6a: {  	_ =	shalt  }
0x6b: {  	_ =	shalt  }
0x6c: {  	_ =	shalt  }
0x6d: {  	_ =	shalt  }
0x6e: {  	_ =	shalt  }
0x6f: {  	_ =	shalt  }
0x70: {  	_ =	shalt  }
0x71: {  	_ =	shalt  }
0x72: {  	_ =	shalt  }
0x73: {  	_ =	shalt  }
0x74: {  	_ =	shalt  }
0x75: {  	_ =	shalt  }
0x76: {  	_ =	shalt  }
0x77: {  	_ =	shalt  }
0x78: {  	_ =	shalt  }
0x79: {  	_ =	shalt  }
0x7a: {  	_ =	shalt  }
0x7b: {  	_ =	shalt  }
0x7c: {  	_ =	shalt  }
0x7d: {  	_ =	shalt  }
0x7e: {  	_ =	shalt  }
0x7f: {  	_ =	shalt  }
0x80: {  	_ =	shalt  }
0x81: {  	_ =	shalt  }
0x82: {  	_ =	shalt  }
0x83: {  	_ =	shalt  }
0x84: {  	_ =	shalt  }
0x85: {  	_ =	shalt  }
0x86: {  	_ =	shalt  }
0x87: {  	_ =	shalt  }
.Lfunc_end0:
.L_simem_size_0:
called_computation_lowered:
.L_overlay_start_0:
0x88: {  	s2 =	sld [smem:$0x3FD9]  }
0x89: {  	s3 =	sld [smem:$0x3FFE];
	_ =	sdelay $0x1  }
0x8a: {  	s1 =	srdreg.scid  }
0x8b: {  	s0 =	sand.u32 $0x1, s1  }
0x8c: {  	s17 =	sshll.u32 s0, $0xA;
	s2 =	sadd.s32 s3, s2  }
0x8d: {  	s2 =	sadd.s32 s2, s17  }
0x8e: {  	[smem:$0x3FBF] =	sst s2  }
0x8f: {  	_ = 	snop  }
0x90: {  	s2 =	sld [smem:$0x3FC9];
	(tm) =	ssettm $0x1  }
0x91: {  	s18 =	sld [smem:$0x3FFB];
	_ =	sdelay $0x3  }
0x92: {  	_ =	strace s18  }
0x93: {  	s3 =	sld [smem:$0x3FFC];
	_ =	sdelay $0x3  }
0x94: {  	_ =	strace s3  }
0x95: {  	s3 =	sld [smem:$0x3FFD];
	_ =	sdelay $0x3  }
0x96: {  	_ =	strace s3  }
0x97: {  	_ =	strace $0x8FFFFFFF  }
0x98: {  	s19 =	sld [smem:$0x3FDB];
	_ =	sdelay $0x1  }
0x99: {  	s4 =	simm.s32 $_scs_section_size  }
0x9a: {  	s5 =	simm.s32 $_size__tile_overlayer_lowered;
	s6 =	simm.s32 $_tile_overlayer_lowered  }
0x9b: {  	s22 =	simm.s32 $0x1BFF;
	s21 =	sshll.u32 s6, $0x1;
	s3 =	sadd.s32 s4, s19  }
0x9c: {  	s7 =	simm.s32 $0x0;
	s20 =	sshll.u32 s5, $0x1;
	s5 =	sadd.s32 s21, s3  }
0x9d: {  	[timem:s7], [sflag:s22] =	dma.local [hbm:s5], s20  }
0x9e: {  	_ =	swait.ge [sflag:s22], s20  }
0x9f: {  	s4 =	ssub.s32 $0x0, s20;
	[sflag:s22] =	ssyncset.done $0x0  }
0xa0: {  	[sflag:s22] =	ssyncadd.s32 s4;
	_ =	sdelay $0x1  }
0xa1: {  	s23 =	simm.s32 $0x1B8B  }
0xa2: {  	_ =	swait.ge [sflag:s23], $0x1  }
0xa3: {  	[sflag:s23] =	ssyncset.done $0x0  }
0xa4: {  	s25 =	simm.s32 $0x1B8E;
	s24 =	sld [smem:$0x3FFE];
	[sflag:s23] =	ssyncadd.s32 $0xFFFFFFFF  }
0xa5: {  	s26 =	simm.s32 $execute0_lowered;
	[smem:$0x3FD2] =	sst s25  }
0xa6: {  	s5 =	sshll.u32 s26, $0x1;
	_ =	strace $0x80000046;
	[dreg:$0x1] =	wrdreg $0xFFFFFFFF  }
0xa7: {  	s28 =	simm.s32 $_size_execute0_lowered;
	s3 =	sadd.s32 s3, s5;
	[dreg:$0x0] =	wrdreg $0x0  }
0xa8: {  	s5 =	sshll.u32 s28, $0x1;
	[dreg:$0x2] =	wrdreg s3  }
0xa9: {  	[dreg:$0x3] =	wrdreg s5  }
0xaa: {  	[dreg:$0x4] =	wrdreg $0xC0  }
0xab: {  	_ =	task [dreg:s7], $0x5FFFF  }
0xac: {  	[dreg:$0x1] =	wrdreg $0xFFFFFFFF  }
0xad: {  	[dreg:$0x0] =	wrdreg $0x60  }
0xae: {  	[dreg:$0x2] =	wrdreg s24  }
0xaf: {  	[dreg:$0x3] =	wrdreg s2  }
0xb0: {  	[dreg:$0x4] =	wrdreg $0x9  }
0xb1: {  	_ =	task.clear_ibuf [dreg:s7], $0x5FFFF;
	_ =	strace $0x90000046  }
0xb2: {  	s29 =	simm.s32 $0x9;
	_ =	strace $0x80000048  }
0xb3: {  	_ =	swait.ge [sflag:s29], $0x1  }
0xb4: {  	[sflag:s29] =	ssyncadd.s32 $0xFFFFFFFF  }
0xb5: {  	_ =	strace $0x90000048  }
0xb6: {  	_ =	sfence  }
0xb7: {  	s30 =	sld [smem:$0x0];
	_ =	sdelay $0x2  }
0xb8: {  	s31 =	sshll.u32 s1, $0xD;
	s1 =	sshrl.u32 s1, $0x2  }
0xb9: {  	s3 =	sand.u32 $0x4000, s31;
	s1 =	sadd.s32 s1, s30  }
0xba: {  	s0 =	sor.u32 s3, s0;
	s1 =	sshll.u32 s1, $0x11  }
0xbb: {  	s0 =	sor.u32 s1, s0  }
0xbc: {  	s0 =	sadd.s32 $0x8F2B, s0  }
0xbd: {  	[sflag:s0] =	ssyncadd.remote.s32 $0x1  }
0xbe: {  	_ =	sfence.sel $0xFFFF  }
0xbf: {  	[dreg:$0x0] =	wrdreg $0xFFFFFFFF;
	(pc) =	sbr.abs _section_cstart, $3  }
0xc0: {  	[dreg:$0x1] =	wrdreg $0xFFFFFFFF  }
0xc1: {  	_ =	task.clear_ibuf [dreg:s7], $0x2FFFF;
	_ =	strace $0x9FFFFFFF  }
0xc2: {  	(tm) =	ssettm $0x7FFFFFFF  }
0xc3: {  	_ =	shalt  }
tec
execute0_lowered:
.L_overlay_start_1:
0x0: {  	(tag) =	ssettag $0x1  }
0x1: {  	s0 =	rddreg [dreg:$0x0]  }
0x2: {  	s1 =	rddreg [dreg:$0x1];
	s2 =	srdreg.scid  }
0x3: {  	s3 =	stileid.u32;
	s26 =	simm.s32 $0x80;
	s9 =	simm.s32 $0x2  }
0x4: {  	s12 =	simm.s32 $0x1900;
	s13 =	simm.s32 $0x2100;
	s14 =	simm.s32 $0x2900  }
0x5: {  	s15 =	simm.s32 $0x3100;
	s16 =	simm.s32 $0x3900;
	s17 =	simm.s32 $0x4100  }
0x6: {  	s18 =	simm.s32 $0x4900;
	s19 =	simm.s32 $0x5100;
	s20 =	simm.s32 $0x5900  }
0x7: {  	s21 =	simm.s32 $0x6100;
	s22 =	simm.s32 $0x6900;
	s23 =	simm.s32 $0x7100  }
0x8: {  	s24 =	simm.s32 $0x7900;
	s28 =	simm.s32 $0x9100;
	s29 =	simm.s32 $0x9900  }
0x9: {  	s30 =	simm.s32 $0xA100;
	s31 =	simm.s32 $0xA900;
	s4 =	sand.u32 $0x1, s2  }
0xa: {  	s2 =	simm.s32 $0x0;
	s3 =	sshll.u32 s3, $0x4;
	s5 =	sshll.u32 s4, $0x3  }
0xb: {  	[smem:$0x7FF] =	sst s2;
	s4 =	ssub.s32 $0x2, s4;
	s5 =	sor.u32 s5, s3  }
0xc: {  	_ =	strace $0x80000047;
	s3 =	sadd.s32 $0x1C00, s0;
	s8 =	sshrl.u32 s4, $0x1  }
0xd: {  	[dreg:$0x6] =	wrdreg s26;
	s26 =	simm.s32 $0x8900;
	s6 =	sadd.s32 s5, s0  }
0xe: {  	s5 =	smul.u32 $0x300, s5;
	s25 =	ssub.s32 s4, s8;
	s7 =	sadd.s32 $0x1800, s6  }
0xf: {  	s4 =	sadd.s32 $0x1D00, s0;
	s6 =	sadd.s32 $0x1A00, s6;
	[dreg:$0x3] =	wrdreg s7  }
0x10: {  	v2 =	vlaneseq.u32;
	s8 =	simm.s32 $0xB900;
	[dreg:$0x4] =	wrdreg s6;
	s1 =	sadd.s32 s1, s5  }
0x11: {  	vm0 =	vmmov $0xffff;
	v1 =	vshrl.u32 v2, $0x3;
	s5 =	sadd.s32 $0x1E00, s0;
	s6 =	smax.u32 s25, $0x1;
	s7 =	simm.s32 $0x3  }
0x12: {  	v0 =	vand.u32 $0x7, v2;
	v2 =	vor.u32 $0x8, v2;
	v1 =	vmul.u32 $0x8, v1;
	s25 =	simm.s32 $0x8100;
	[dreg:$0x5] =	wrdreg s1;
	s1 =	simm.s32 $0x100  }
.LBB2_1:
0x13: {  	s10 =	rddreg [dreg:$0x3]  }
0x14: {  	[tilespmem:s2], [sflag:$0x3] =	stream.linear.gather [hbm4b:s10+s2], $0x40, $0x38;
	[tilespmem:$0xC100] =	vst v63  }
0x15: {  	_ =	swait.ge [sflag:s7], $0x40  }
0x16: {  	s0 =	rddreg [dreg:$0x4];
	[sflag:s7] =	ssyncset.done $0x0  }
0x17: {  	s11 =	rddreg [dreg:$0x6];
	[sflag:s7] =	ssyncadd.s32 $0xFFFFFFC0  }
0x18: {  	[tilespmem:s11], [sflag:$0x3] =	stream.linear.gather [hbm4b:s0+s2], $0x40, $0x38;
	[tilespmem:$0xC100] =	vst v63  }
0x19: {  	_ =	swait.ge [sflag:s7], $0x40  }
0x1a: {  	[sflag:s7] =	ssyncset.done $0x0  }
0x1b: {  	s0 =	rddreg [dreg:$0x5];
	[sflag:s7] =	ssyncadd.s32 $0xFFFFFFC0  }
0x1c: {  	[tilespmem:s1], [sflag:$0x3] =	stream.linear.gather [hbm4b:s0+s2], $0xC000, $0x38;
	[tilespmem:$0xC100] =	vst v63  }
0x1d: {  	_ =	swait.ge [sflag:s7], $0xC000  }
0x1e: {  	[sflag:s7] =	ssyncset.done $0x0  }
0x1f: {  	[sflag:s7] =	ssyncadd.s32 $0xFFFF4000  }
0x20: {  	v3 =	vld [tilespmem:$0x0];
	_ =	sdelay $0x4  }
0x21: {  	v4 =	vshrl.u32 v3, $0x3  }
0x22: {  	v4 =	vmul.u32 $0x30, v4  }
0x23: {  	v3 =	vand.u32 $0x7, v3  }
0x24: {  	v3 =	vor.u32 v3, v4  }
0x25: {  	v4 =	vperm.xlane v3, v0;
	_ =	sdelay $0x1  }
0x26: {  	v4 =	vadd.s32 v1, v4;
	_ =	sdelay $0x3  }
0x27: {  	v3 =	vperm.xlane v3, v2  }
0x28: {  	[hbm4b:s3+s2] =	stream.indirect_vreg.scatter [tilespmem:s1], [sflag:$0x1], $0x80, v4, vm0, $0xb8;
	[tilespmem:$0xC100] =	vst v63  }
0x29: {  	s10 =	simm.s32 $0x900;
	v3 =	vadd.s32 v1, v3  }
0x2a: {  	[hbm4b:s4+s2] =	stream.indirect_vreg.scatter [tilespmem:s10], [sflag:$0x1], $0x80, v4, vm0, $0xb8;
	[tilespmem:$0xC100] =	vst v63  }
0x2b: {  	s11 =	simm.s32 $0x1100  }
0x2c: {  	[hbm4b:s5+s2] =	stream.indirect_vreg.scatter [tilespmem:s11], [sflag:$0x1], $0x80, v4, vm0, $0xb8;
	[tilespmem:$0xC100] =	vst v63  }
0x2d: {  	_ = 	snop  }
0x2e: {  	[hbm4b:s3+s2] =	stream.indirect_vreg.scatter [tilespmem:s12], [sflag:$0x1], $0x80, v3, vm0, $0xb8;
	[tilespmem:$0xC100] =	vst v63  }
0x2f: {  	_ = 	snop  }
0x30: {  	[hbm4b:s4+s2] =	stream.indirect_vreg.scatter [tilespmem:s13], [sflag:$0x1], $0x80, v3, vm0, $0xb8;
	[tilespmem:$0xC100] =	vst v63  }
0x31: {  	_ = 	snop  }
0x32: {  	[hbm4b:s5+s2] =	stream.indirect_vreg.scatter [tilespmem:s14], [sflag:$0x1], $0x80, v3, vm0, $0xb8;
	[tilespmem:$0xC100] =	vst v63  }
0x33: {  	v3 =	vld [tilespmem:$0x10];
	_ =	sdelay $0x4  }
0x34: {  	v57 =	vshrl.u32 v3, $0x3  }
0x35: {  	v4 =	vmul.u32 $0x30, v57  }
0x36: {  	v3 =	vand.u32 $0x7, v3  }
0x37: {  	v3 =	vor.u32 v3, v4  }
0x38: {  	v4 =	vperm.xlane v3, v0;
	_ =	sdelay $0x1  }
0x39: {  	v4 =	vadd.s32 v1, v4;
	_ =	sdelay $0x3  }
0x3a: {  	v3 =	vperm.xlane v3, v2  }
0x3b: {  	[hbm4b:s3+s2] =	stream.indirect_vreg.scatter [tilespmem:s15], [sflag:$0x1], $0x80, v4, vm0, $0xb8;
	[tilespmem:$0xC100] =	vst v63  }
0x3c: {  	v3 =	vadd.s32 v1, v3  }
0x3d: {  	[hbm4b:s4+s2] =	stream.indirect_vreg.scatter [tilespmem:s16], [sflag:$0x1], $0x80, v4, vm0, $0xb8;
	[tilespmem:$0xC100] =	vst v63  }
0x3e: {  	_ = 	snop  }
0x3f: {  	[hbm4b:s5+s2] =	stream.indirect_vreg.scatter [tilespmem:s17], [sflag:$0x1], $0x80, v4, vm0, $0xb8;
	[tilespmem:$0xC100] =	vst v63  }
0x40: {  	_ = 	snop  }
0x41: {  	[hbm4b:s3+s2] =	stream.indirect_vreg.scatter [tilespmem:s18], [sflag:$0x1], $0x80, v3, vm0, $0xb8;
	[tilespmem:$0xC100] =	vst v63  }
0x42: {  	_ = 	snop  }
0x43: {  	[hbm4b:s4+s2] =	stream.indirect_vreg.scatter [tilespmem:s19], [sflag:$0x1], $0x80, v3, vm0, $0xb8;
	[tilespmem:$0xC100] =	vst v63  }
0x44: {  	_ = 	snop  }
0x45: {  	[hbm4b:s5+s2] =	stream.indirect_vreg.scatter [tilespmem:s20], [sflag:$0x1], $0x80, v3, vm0, $0xb8;
	[tilespmem:$0xC100] =	vst v63  }
0x46: {  	v3 =	vld [tilespmem:$0x20];
	_ =	sdelay $0x4  }
0x47: {  	v58 =	vshrl.u32 v3, $0x3  }
0x48: {  	v4 =	vmul.u32 $0x30, v58  }
0x49: {  	v3 =	vand.u32 $0x7, v3  }
0x4a: {  	v3 =	vor.u32 v3, v4  }
0x4b: {  	v4 =	vperm.xlane v3, v0;
	_ =	sdelay $0x1  }
0x4c: {  	v4 =	vadd.s32 v1, v4;
	_ =	sdelay $0x3  }
0x4d: {  	v3 =	vperm.xlane v3, v2  }
0x4e: {  	[hbm4b:s3+s2] =	stream.indirect_vreg.scatter [tilespmem:s21], [sflag:$0x1], $0x80, v4, vm0, $0xb8;
	[tilespmem:$0xC100] =	vst v63  }
0x4f: {  	v3 =	vadd.s32 v1, v3  }
0x50: {  	[hbm4b:s4+s2] =	stream.indirect_vreg.scatter [tilespmem:s22], [sflag:$0x1], $0x80, v4, vm0, $0xb8;
	[tilespmem:$0xC100] =	vst v63  }
0x51: {  	_ = 	snop  }
0x52: {  	[hbm4b:s5+s2] =	stream.indirect_vreg.scatter [tilespmem:s23], [sflag:$0x1], $0x80, v4, vm0, $0xb8;
	[tilespmem:$0xC100] =	vst v63  }
0x53: {  	_ = 	snop  }
0x54: {  	[hbm4b:s3+s2] =	stream.indirect_vreg.scatter [tilespmem:s24], [sflag:$0x1], $0x80, v3, vm0, $0xb8;
	[tilespmem:$0xC100] =	vst v63  }
0x55: {  	_ = 	snop  }
0x56: {  	[hbm4b:s4+s2] =	stream.indirect_vreg.scatter [tilespmem:s25], [sflag:$0x1], $0x80, v3, vm0, $0xb8;
	[tilespmem:$0xC100] =	vst v63  }
0x57: {  	_ = 	snop  }
0x58: {  	[hbm4b:s5+s2] =	stream.indirect_vreg.scatter [tilespmem:s26], [sflag:$0x1], $0x80, v3, vm0, $0xb8;
	[tilespmem:$0xC100] =	vst v63  }
0x59: {  	v3 =	vld [tilespmem:$0x30];
	_ =	sdelay $0x4  }
0x5a: {  	v59 =	vshrl.u32 v3, $0x3  }
0x5b: {  	v4 =	vmul.u32 $0x30, v59  }
0x5c: {  	v3 =	vand.u32 $0x7, v3  }
0x5d: {  	v3 =	vor.u32 v3, v4  }
0x5e: {  	v4 =	vperm.xlane v3, v0;
	_ =	sdelay $0x1  }
0x5f: {  	v4 =	vadd.s32 v1, v4;
	_ =	sdelay $0x3  }
0x60: {  	v3 =	vperm.xlane v3, v2  }
0x61: {  	[hbm4b:s3+s2] =	stream.indirect_vreg.scatter [tilespmem:s28], [sflag:$0x1], $0x80, v4, vm0, $0xb8;
	[tilespmem:$0xC100] =	vst v63  }
0x62: {  	v3 =	vadd.s32 v1, v3  }
0x63: {  	[hbm4b:s4+s2] =	stream.indirect_vreg.scatter [tilespmem:s29], [sflag:$0x1], $0x80, v4, vm0, $0xb8;
	[tilespmem:$0xC100] =	vst v63  }
0x64: {  	_ = 	snop  }
0x65: {  	[hbm4b:s5+s2] =	stream.indirect_vreg.scatter [tilespmem:s30], [sflag:$0x1], $0x80, v4, vm0, $0xb8;
	[tilespmem:$0xC100] =	vst v63  }
0x66: {  	_ = 	snop  }
0x67: {  	[hbm4b:s3+s2] =	stream.indirect_vreg.scatter [tilespmem:s31], [sflag:$0x1], $0x80, v3, vm0, $0xb8;
	[tilespmem:$0xC100] =	vst v63  }
0x68: {  	s0 =	simm.s32 $0xB100  }
0x69: {  	[hbm4b:s4+s2] =	stream.indirect_vreg.scatter [tilespmem:s0], [sflag:$0x1], $0x80, v3, vm0, $0xb8;
	[tilespmem:$0xC100] =	vst v63  }
0x6a: {  	_ = 	snop  }
0x6b: {  	[hbm4b:s5+s2] =	stream.indirect_vreg.scatter [tilespmem:s8], [sflag:$0x1], $0x80, v3, vm0, $0xb8;
	[tilespmem:$0xC100] =	vst v63  }
0x6c: {  	v3 =	vld [tilespmem:$0x80];
	_ =	sdelay $0x4  }
0x6d: {  	v60 =	vshrl.u32 v3, $0x3  }
0x6e: {  	v4 =	vmul.u32 $0x30, v60  }
0x6f: {  	v3 =	vand.u32 $0x7, v3  }
0x70: {  	v3 =	vor.u32 v3, v4  }
0x71: {  	v4 =	vperm.xlane v3, v0;
	_ =	sdelay $0x1  }
0x72: {  	v4 =	vadd.s32 v1, v4;
	_ =	sdelay $0x3  }
0x73: {  	v3 =	vperm.xlane v3, v2  }
0x74: {  	[hbm4b:s3+s2] =	stream.indirect_vreg.scatter [tilespmem:s1], [sflag:$0x2], $0x80, v4, vm0, $0xb8;
	[tilespmem:$0xC100] =	vst v63  }
0x75: {  	v3 =	vadd.s32 v1, v3  }
0x76: {  	[hbm4b:s4+s2] =	stream.indirect_vreg.scatter [tilespmem:s10], [sflag:$0x2], $0x80, v4, vm0, $0xb8;
	[tilespmem:$0xC100] =	vst v63  }
0x77: {  	_ = 	snop  }
0x78: {  	[hbm4b:s5+s2] =	stream.indirect_vreg.scatter [tilespmem:s11], [sflag:$0x2], $0x80, v4, vm0, $0xb8;
	[tilespmem:$0xC100] =	vst v63  }
0x79: {  	_ = 	snop  }
0x7a: {  	[hbm4b:s3+s2] =	stream.indirect_vreg.scatter [tilespmem:s12], [sflag:$0x2], $0x80, v3, vm0, $0xb8;
	[tilespmem:$0xC100] =	vst v63  }
0x7b: {  	_ = 	snop  }
0x7c: {  	[hbm4b:s4+s2] =	stream.indirect_vreg.scatter [tilespmem:s13], [sflag:$0x2], $0x80, v3, vm0, $0xb8;
	[tilespmem:$0xC100] =	vst v63  }
0x7d: {  	_ = 	snop  }
0x7e: {  	[hbm4b:s5+s2] =	stream.indirect_vreg.scatter [tilespmem:s14], [sflag:$0x2], $0x80, v3, vm0, $0xb8;
	[tilespmem:$0xC100] =	vst v63  }
0x7f: {  	v3 =	vld [tilespmem:$0x90];
	_ =	sdelay $0x4  }
0x80: {  	v61 =	vshrl.u32 v3, $0x3  }
0x81: {  	v4 =	vmul.u32 $0x30, v61  }
0x82: {  	v3 =	vand.u32 $0x7, v3  }
0x83: {  	v3 =	vor.u32 v3, v4  }
0x84: {  	v4 =	vperm.xlane v3, v0;
	_ =	sdelay $0x1  }
0x85: {  	v4 =	vadd.s32 v1, v4;
	_ =	sdelay $0x3  }
0x86: {  	v3 =	vperm.xlane v3, v2  }
0x87: {  	[hbm4b:s3+s2] =	stream.indirect_vreg.scatter [tilespmem:s15], [sflag:$0x2], $0x80, v4, vm0, $0xb8;
	[tilespmem:$0xC100] =	vst v63  }
0x88: {  	v3 =	vadd.s32 v1, v3  }
0x89: {  	[hbm4b:s4+s2] =	stream.indirect_vreg.scatter [tilespmem:s16], [sflag:$0x2], $0x80, v4, vm0, $0xb8;
	[tilespmem:$0xC100] =	vst v63  }
0x8a: {  	_ = 	snop  }
0x8b: {  	[hbm4b:s5+s2] =	stream.indirect_vreg.scatter [tilespmem:s17], [sflag:$0x2], $0x80, v4, vm0, $0xb8;
	[tilespmem:$0xC100] =	vst v63  }
0x8c: {  	_ = 	snop  }
0x8d: {  	[hbm4b:s3+s2] =	stream.indirect_vreg.scatter [tilespmem:s18], [sflag:$0x2], $0x80, v3, vm0, $0xb8;
	[tilespmem:$0xC100] =	vst v63  }
0x8e: {  	_ = 	snop  }
0x8f: {  	[hbm4b:s4+s2] =	stream.indirect_vreg.scatter [tilespmem:s19], [sflag:$0x2], $0x80, v3, vm0, $0xb8;
	[tilespmem:$0xC100] =	vst v63  }
0x90: {  	_ = 	snop  }
0x91: {  	[hbm4b:s5+s2] =	stream.indirect_vreg.scatter [tilespmem:s20], [sflag:$0x2], $0x80, v3, vm0, $0xb8;
	[tilespmem:$0xC100] =	vst v63  }
0x92: {  	v3 =	vld [tilespmem:$0xA0];
	_ =	sdelay $0x4  }
0x93: {  	v62 =	vshrl.u32 v3, $0x3  }
0x94: {  	v4 =	vmul.u32 $0x30, v62  }
0x95: {  	v3 =	vand.u32 $0x7, v3  }
0x96: {  	v3 =	vor.u32 v3, v4  }
0x97: {  	v4 =	vperm.xlane v3, v0;
	_ =	sdelay $0x1  }
0x98: {  	v4 =	vadd.s32 v1, v4;
	_ =	sdelay $0x3  }
0x99: {  	v3 =	vperm.xlane v3, v2  }
0x9a: {  	[hbm4b:s3+s2] =	stream.indirect_vreg.scatter [tilespmem:s21], [sflag:$0x2], $0x80, v4, vm0, $0xb8;
	[tilespmem:$0xC100] =	vst v63  }
0x9b: {  	v3 =	vadd.s32 v1, v3  }
0x9c: {  	[hbm4b:s4+s2] =	stream.indirect_vreg.scatter [tilespmem:s22], [sflag:$0x2], $0x80, v4, vm0, $0xb8;
	[tilespmem:$0xC100] =	vst v63  }
0x9d: {  	_ = 	snop  }
0x9e: {  	[hbm4b:s5+s2] =	stream.indirect_vreg.scatter [tilespmem:s23], [sflag:$0x2], $0x80, v4, vm0, $0xb8;
	[tilespmem:$0xC100] =	vst v63  }
0x9f: {  	_ = 	snop  }
0xa0: {  	[hbm4b:s3+s2] =	stream.indirect_vreg.scatter [tilespmem:s24], [sflag:$0x2], $0x80, v3, vm0, $0xb8;
	[tilespmem:$0xC100] =	vst v63  }
0xa1: {  	_ = 	snop  }
0xa2: {  	[hbm4b:s4+s2] =	stream.indirect_vreg.scatter [tilespmem:s25], [sflag:$0x2], $0x80, v3, vm0, $0xb8;
	[tilespmem:$0xC100] =	vst v63  }
0xa3: {  	_ = 	snop  }
0xa4: {  	[hbm4b:s5+s2] =	stream.indirect_vreg.scatter [tilespmem:s26], [sflag:$0x2], $0x80, v3, vm0, $0xb8;
	[tilespmem:$0xC100] =	vst v63  }
0xa5: {  	v3 =	vld [tilespmem:$0xB0];
	_ =	sdelay $0x4  }
0xa6: {  	v63 =	vshrl.u32 v3, $0x3  }
0xa7: {  	v4 =	vmul.u32 $0x30, v63  }
0xa8: {  	v3 =	vand.u32 $0x7, v3  }
0xa9: {  	v3 =	vor.u32 v3, v4  }
0xaa: {  	v4 =	vperm.xlane v3, v0;
	_ =	sdelay $0x1  }
0xab: {  	v4 =	vadd.s32 v1, v4;
	_ =	sdelay $0x3  }
0xac: {  	v3 =	vperm.xlane v3, v2  }
0xad: {  	[hbm4b:s3+s2] =	stream.indirect_vreg.scatter [tilespmem:s28], [sflag:$0x2], $0x80, v4, vm0, $0xb8;
	[tilespmem:$0xC100] =	vst v63  }
0xae: {  	v3 =	vadd.s32 v1, v3  }
0xaf: {  	[hbm4b:s4+s2] =	stream.indirect_vreg.scatter [tilespmem:s29], [sflag:$0x2], $0x80, v4, vm0, $0xb8;
	[tilespmem:$0xC100] =	vst v63  }
0xb0: {  	_ = 	snop  }
0xb1: {  	[hbm4b:s5+s2] =	stream.indirect_vreg.scatter [tilespmem:s30], [sflag:$0x2], $0x80, v4, vm0, $0xb8;
	[tilespmem:$0xC100] =	vst v63  }
0xb2: {  	_ = 	snop  }
0xb3: {  	[hbm4b:s3+s2] =	stream.indirect_vreg.scatter [tilespmem:s31], [sflag:$0x2], $0x80, v3, vm0, $0xb8;
	[tilespmem:$0xC100] =	vst v63  }
0xb4: {  	_ = 	snop  }
0xb5: {  	[hbm4b:s4+s2] =	stream.indirect_vreg.scatter [tilespmem:s0], [sflag:$0x2], $0x80, v3, vm0, $0xb8;
	[tilespmem:$0xC100] =	vst v63  }
0xb6: {  	s11 =	simm.s32 $0x1  }
0xb7: {  	[hbm4b:s5+s2] =	stream.indirect_vreg.scatter [tilespmem:s8], [sflag:$0x2], $0x80, v3, vm0, $0xb8;
	[tilespmem:$0xC100] =	vst v63  }
0xb8: {  	p0 =	sne.s32 s6, $0x1;
	_ =	swait.ge [sflag:s11], $0xC000  }
.Ltmp0:
0xb9: {  	[sflag:s11] =	ssyncset.done $0x0;
	(pc) =	sbr.rel @p0 .LBB2_1-.Ltmp0, $4  }
0xba: {  	[sflag:s11] =	ssyncadd.s32 $0xFFFF4000  }
0xbb: {  	_ =	swait.ge [sflag:s9], $0xC000  }
0xbc: {  	[sflag:s9] =	ssyncset.done $0x0  }
0xbd: {  	s6 =	sadd.s32 $0xFFFFFFFF, s6;
	[sflag:s9] =	ssyncadd.s32 $0xFFFF4000  }
0xbe: {  	_ =	sfence.sel $0x180000  }
0xbf: {  	[bflag:$0x0] =	sbarrier.arrive $0xFFFF  }
0xc0: {  	_ =	strace $0x90000047  }
0xc1: {  	s0 =	stileid.u32;
	[bflag:$0x2] =	sbarrier.arrive $0xFFFF  }
0xc2: {  	p0 =	sne.s32 s0, $0x0;
	s0 =	rddreg [dreg:$0x2]  }
0xc3: {  	s0 =	sadd.s32 @!p0 $0x100000, s0  }
0xc4: {  	[sflag:s0] =	ssyncadd.tile.s32 @!p0 $0x1;
	_ =	shalt  }
.Lfunc_end2:
_tile_overlayer_lowered:
.L_overlay_start_2:
0xc5: {  	(tag) =	ssettag $0x2  }
0xc6: {  	s0 =	rddreg [dreg:$0x0];
	s2 =	stileid.u32  }
0xc7: {  	s1 =	rddreg [dreg:$0x1];
	p0 =	sne.s32 s2, $0x0  }
0xc8: {  	s3 =	rddreg [dreg:$0x2];
	[bflag:$0x3] =	sbarrier.arrive $0xFFFF;
	s2 =	simm.s32 @!p0 $0x1C03  }
0xc9: {  	[timem:s3], [sflag:s2] =	dma.local @!p0 [hbm:s0], s1  }
0xca: {  	s0 =	simm.s32 @!p0 $0x3  }
0xcb: {  	_ =	swait.ge @!p0 [sflag:s0], s1  }
0xcc: {  	s1 =	ssub.s32 @!p0 $0x0, s1;
	[sflag:s0] =	ssyncset.done @!p0 $0x0  }
0xcd: {  	[sflag:s0] =	ssyncadd.s32 @!p0 s1  }
0xce: {  	[bflag:$0x3] =	sbarrier.arrive $0xFFFF  }
0xcf: {  	_ =	shalt  }

</sc_bundles>
